<compile_context>
chip_gen: v7x
topology: tpu7x:2x2x1
jax: 0.10.2.dev20260603
libtpu: 0.0.44.dev20260713+nightly
codegen_flags: <defaults>
</compile_context>

<pallas_src>
import functools

import jax
import jax.numpy as jnp
from jax import lax
from jax.experimental import pallas as pl
from jax.experimental.pallas import tpu as pltpu
from jax.experimental.pallas import tpu_sc as plsc

_N_NODES = 50000
_E = 1600000
_N_GRAPHS = 16
_NW = 32
_PER_W = _E // _NW
_B = 2000
_NCHUNK = _PER_W // _B
_G = _B // 16
_U = 5

_MESH = plsc.VectorSubcoreMesh(core_axis_name="c", subcore_axis_name="s")


@functools.partial(
    pl.kernel,
    out_type=jax.ShapeDtypeStruct((_NW, 16), jnp.float32),
    mesh=_MESH,
    scratch_types=[
        pltpu.VMEM((2 * _N_NODES,), jnp.float32),
        pltpu.VMEM((_B,), jnp.int32),
        pltpu.VMEM((_B,), jnp.int32),
        pltpu.VMEM((_B,), jnp.float32),
        pltpu.VMEM((_B,), jnp.int32),
        pltpu.VMEM((_B,), jnp.int32),
        pltpu.VMEM((_B,), jnp.float32),
        pltpu.VMEM((16,), jnp.float32),
        pltpu.SemaphoreType.DMA,
        pltpu.SemaphoreType.DMA,
        pltpu.SemaphoreType.DMA,
    ],
    compiler_params=pltpu.CompilerParams(needs_layout_passes=False),
)
def _stress_sc(nodes_hbm, fei_hbm, d_hbm, out_hbm, np_v,
               src0_v, dst0_v, d0_v, src1_v, dst1_v, d1_v,
               acc_v, nsem, sem0, sem1):
    wid = lax.axis_index("s") * 2 + lax.axis_index("c")
    base = wid * _PER_W
    bufs = ((src0_v, dst0_v, d0_v, sem0), (src1_v, dst1_v, d1_v, sem1))

    def issue(c, buf):
        sv, dv, ddv, sem = buf
        off = base + c * _B
        pltpu.make_async_copy(fei_hbm.at[pl.ds(off, _B)], sv, sem).start()
        pltpu.make_async_copy(fei_hbm.at[pl.ds(_E + off, _B)], dv, sem).start()
        pltpu.make_async_copy(d_hbm.at[pl.ds(off, _B)], ddv, sem).start()

    def drain(buf):
        sv, dv, ddv, sem = buf
        pltpu.make_async_copy(fei_hbm.at[pl.ds(0, _B)], sv, sem).wait()
        pltpu.make_async_copy(fei_hbm.at[pl.ds(0, _B)], dv, sem).wait()
        pltpu.make_async_copy(d_hbm.at[pl.ds(0, _B)], ddv, sem).wait()

    def edge_group(g, buf):
        sv, dv, ddv, _ = buf
        s = sv[pl.ds(g * 16, 16)]
        t = dv[pl.ds(g * 16, 16)]
        dd = ddv[pl.ds(g * 16, 16)]
        s2 = s + s
        t2 = t + t
        sx = plsc.load_gather(np_v, [s2])
        sy = plsc.load_gather(np_v, [s2 + 1])
        ex = plsc.load_gather(np_v, [t2])
        ey = plsc.load_gather(np_v, [t2 + 1])
        dx = sx - ex
        dy = sy - ey
        sq = dx * dx + dy * dy
        sqc = jnp.maximum(sq, jnp.float32(1e-30))
        ii = plsc.bitcast(sqc, jnp.int32)
        y = plsc.bitcast(jnp.int32(0x5F3759DF) - (ii >> 1), jnp.float32)
        h = jnp.float32(0.5) * sqc
        y = y * (jnp.float32(1.5) - h * y * y)
        y = y * (jnp.float32(1.5) - h * y * y)
        eu = sqc * y
        r = (eu - dd) / dd
        return r * r

    def compute(buf, accs):
        def group_body(i, accs):
            return tuple(
                accs[u] + edge_group(i * _U + u, buf) for u in range(_U)
            )
        return lax.fori_loop(0, _G // _U, group_body, accs)

    pltpu.make_async_copy(nodes_hbm, np_v, nsem).start()
    issue(0, bufs[0])
    pltpu.make_async_copy(nodes_hbm, np_v, nsem).wait()

    def pair_body(cc, accs):
        c0 = cc * 2
        drain(bufs[0])
        issue(c0 + 1, bufs[1])
        accs = compute(bufs[0], accs)
        drain(bufs[1])
        issue(c0 + 2, bufs[0])
        return compute(bufs[1], accs)

    zero = jnp.zeros((16,), jnp.float32)
    accs = lax.fori_loop(0, (_NCHUNK - 1) // 2, pair_body, (zero,) * _U)
    drain(bufs[0])
    accs = compute(bufs[0], accs)

    total = accs[0]
    for u in range(1, _U):
        total = total + accs[u]
    acc_v[...] = total * jnp.float32(1.0 / _N_GRAPHS)
    pltpu.sync_copy(acc_v, out_hbm.at[wid])


def kernel(node_pos, full_edge_index, full_edge_attr, batch_vec, edge_index):
    del batch_vec, edge_index
    nodes = node_pos.reshape(-1)
    fei = full_edge_index.astype(jnp.int32).reshape(-1)
    d = full_edge_attr.reshape(-1)
    partials = _stress_sc(nodes, fei, d)
    return jnp.sum(partials)

# --- scband reference (transcript-rebuilt; emitter-appended) ---
"""Pipeline reference for scband-stress-32220844654989 (READ-ONLY COPY).

The authoritative reference and input builder live on the scoring server;
editing this copy changes nothing except your own understanding.
"""

import jax, jax.numpy as jnp
import numpy as np

N_NODES = 50000
N_EDGES = 1600000
N_GRAPHS = 16

def setup_inputs(seed: int = 0) -> dict:
    key = jax.random.key(seed)
    k1, k2, k3, k4, k5, k6 = jax.random.split(key, 6)
    node_pos = jax.random.normal(k1, (N_NODES, 2), dtype=jnp.float32)
    # build edges avoiding self-loops so distances are strictly positive
    src = jax.random.randint(k2, (N_EDGES,), 0, N_NODES)
    offs = jax.random.randint(k3, (N_EDGES,), 1, N_NODES)
    dst = (src + offs) % N_NODES
    full_edge_index = jnp.stack([src, dst]).astype(jnp.int64)
    # target distances, bounded away from zero (they appear in a denominator)
    full_edge_attr = (jax.random.uniform(k4, (N_EDGES, 1), dtype=jnp.float32) + 0.5)
    batch_vec = jnp.sort(jax.random.randint(k5, (N_NODES,), 0, N_GRAPHS)).astype(jnp.int64)
    esrc = jax.random.randint(k6, (N_EDGES,), 0, N_NODES)
    edge_index = jnp.stack([esrc, esrc]).astype(jnp.int64)
    return {"node_pos": node_pos, "full_edge_index": full_edge_index,
            "full_edge_attr": full_edge_attr, "batch_vec": batch_vec,
            "edge_index": edge_index}


def reference(node_pos, full_edge_index, full_edge_attr, batch_vec, edge_index):
    # get_full_edges: gather endpoint positions
    edges = node_pos[full_edge_index.T]          # [E, 2, dim]
    start = edges[:, 0, :]
    end = edges[:, 1, :]
    eu = jnp.linalg.norm(start - end, axis=1)     # [E]
    d = full_edge_attr[:, 0]                      # [E]
    edge_stress = jnp.square(jnp.abs(eu - d) / d) # [E]
    index = batch_vec[edge_index[0]]              # [E] graph id per edge
    graph_stress = jax.ops.segment_sum(edge_stress, index, num_segments=N_GRAPHS)
    return jnp.mean(graph_stress)

if __name__ == "__main__":
    import jax
    _d = setup_inputs()
    print(jax.jit(kernel)(*tuple(_d.values())))

</pallas_src>

<mosaic_0001>
#map = affine_map<(d0, d1) -> (0)>
#map1 = affine_map<(d0, d1) -> (0, 0)>
module attributes {stable_mosaic.version = 14 : i64} {
  func.func @_stress_sc(%arg0: i32, %arg1: i32, %arg2: memref<100000xf32, #tpu.memory_space<hbm>>, %arg3: memref<3200000xi32, #tpu.memory_space<hbm>>, %arg4: memref<1600000xf32, #tpu.memory_space<hbm>>, %arg5: memref<32x16xf32, #tpu.memory_space<hbm>>, %arg6: memref<100000xf32, #tpu.memory_space<vmem>>, %arg7: memref<2000xi32, #tpu.memory_space<vmem>>, %arg8: memref<2000xi32, #tpu.memory_space<vmem>>, %arg9: memref<2000xf32, #tpu.memory_space<vmem>>, %arg10: memref<2000xi32, #tpu.memory_space<vmem>>, %arg11: memref<2000xi32, #tpu.memory_space<vmem>>, %arg12: memref<2000xf32, #tpu.memory_space<vmem>>, %arg13: memref<16xf32, #tpu.memory_space<vmem>>, %arg14: memref<!tpu.dma_semaphore, #tpu.memory_space<semaphore_mem>>, %arg15: memref<!tpu.dma_semaphore, #tpu.memory_space<semaphore_mem>>, %arg16: memref<!tpu.dma_semaphore, #tpu.memory_space<semaphore_mem>>) attributes {dimension_semantics = [#tpu.dimension_semantics<core_parallel>, #tpu.dimension_semantics<subcore_parallel>], iteration_bounds = array<i64: 2, 16>, scalar_prefetch = 0 : i64, scratch_operands = 11 : i64, tpu.core_type = #tpu.core_type<sc_vector_subcore>, window_params = [{transform_indices = #map}, {transform_indices = #map}, {transform_indices = #map}, {transform_indices = #map1}]} {
    %mul3A = arith.constant 2 : i32
    %mul3A_0 = arith.muli %arg1, %mul3A : i32
    %add3A = arith.addi %mul3A_0, %arg0 : i32
    %mul3A_1 = arith.constant 50000 : i32
    %mul3A_2 = arith.muli %add3A, %mul3A_1 : i32
    tpu.enqueue_dma source(%arg2 : memref<100000xf32, #tpu.memory_space<hbm>>) target(%arg6 : memref<100000xf32, #tpu.memory_space<vmem>>) target_semaphore(%arg14 : memref<!tpu.dma_semaphore, #tpu.memory_space<semaphore_mem>>)
    %add3A_3 = arith.constant 0 : i32
    %add3A_4 = arith.addi %mul3A_2, %add3A_3 : i32
    %dma_start3A = tpu.memref_slice %arg3[%add3A_4] : memref<3200000xi32, #tpu.memory_space<hbm>> -> memref<2000xi32, #tpu.memory_space<hbm>>
    %dma_start3A_5 = tpu.memref_slice %arg3[%add3A_4] : memref<3200000xi32, #tpu.memory_space<hbm>> -> memref<2000xi32, #tpu.memory_space<hbm>>
    tpu.enqueue_dma source(%dma_start3A_5 : memref<2000xi32, #tpu.memory_space<hbm>>) target(%arg7 : memref<2000xi32, #tpu.memory_space<vmem>>) target_semaphore(%arg15 : memref<!tpu.dma_semaphore, #tpu.memory_space<semaphore_mem>>)
    %add3A_6 = arith.constant 1600000 : i32
    %add3A_7 = arith.addi %add3A_6, %add3A_4 : i32
    %dma_start3A_8 = tpu.memref_slice %arg3[%add3A_7] : memref<3200000xi32, #tpu.memory_space<hbm>> -> memref<2000xi32, #tpu.memory_space<hbm>>
    %dma_start3A_9 = tpu.memref_slice %arg3[%add3A_7] : memref<3200000xi32, #tpu.memory_space<hbm>> -> memref<2000xi32, #tpu.memory_space<hbm>>
    tpu.enqueue_dma source(%dma_start3A_9 : memref<2000xi32, #tpu.memory_space<hbm>>) target(%arg8 : memref<2000xi32, #tpu.memory_space<vmem>>) target_semaphore(%arg15 : memref<!tpu.dma_semaphore, #tpu.memory_space<semaphore_mem>>)
    %dma_start3A_10 = tpu.memref_slice %arg4[%add3A_4] : memref<1600000xf32, #tpu.memory_space<hbm>> -> memref<2000xf32, #tpu.memory_space<hbm>>
    %dma_start3A_11 = tpu.memref_slice %arg4[%add3A_4] : memref<1600000xf32, #tpu.memory_space<hbm>> -> memref<2000xf32, #tpu.memory_space<hbm>>
    tpu.enqueue_dma source(%dma_start3A_11 : memref<2000xf32, #tpu.memory_space<hbm>>) target(%arg9 : memref<2000xf32, #tpu.memory_space<vmem>>) target_semaphore(%arg15 : memref<!tpu.dma_semaphore, #tpu.memory_space<semaphore_mem>>)
    tpu.wait_dma2 semaphore(%arg14 : memref<!tpu.dma_semaphore, #tpu.memory_space<semaphore_mem>>) src(%arg2 : memref<100000xf32, #tpu.memory_space<hbm>>) dst(%arg6 : memref<100000xf32, #tpu.memory_space<vmem>>)
    %broadcast_in_dim3A = arith.constant 0.000000e+00 : f32
    %broadcast_in_dim3A_12 = vector.broadcast %broadcast_in_dim3A : f32 to vector<16xf32>
    %scan3A = arith.constant 0 : i32
    %scan3A_13 = arith.constant 12 : i32
    %scan3A_14 = arith.addi %scan3A, %scan3A_13 : i32
    %scan3A_15 = arith.constant 1 : i32
    %scan3A_16:5 = scf.for %scan3A_43 = %scan3A to %scan3A_14 step %scan3A_15 iter_args(%scan3A_44 = %broadcast_in_dim3A_12, %scan3A_45 = %broadcast_in_dim3A_12, %scan3A_46 = %broadcast_in_dim3A_12, %scan3A_47 = %broadcast_in_dim3A_12, %scan3A_48 = %broadcast_in_dim3A_12) -> (vector<16xf32>, vector<16xf32>, vector<16xf32>, vector<16xf32>, vector<16xf32>)  : i32 {
      %mul3A_49 = arith.constant 2 : i32
      %mul3A_50 = arith.muli %scan3A_43, %mul3A_49 : i32
      %dma_wait3A_51 = arith.constant 0 : i32
      %dma_wait3A_52 = tpu.memref_slice %arg3[%dma_wait3A_51] : memref<3200000xi32, #tpu.memory_space<hbm>> -> memref<2000xi32, #tpu.memory_space<hbm>>
      %dma_wait3A_53 = arith.constant 0 : i32
      %dma_wait3A_54 = tpu.memref_slice %arg3[%dma_wait3A_53] : memref<3200000xi32, #tpu.memory_space<hbm>> -> memref<2000xi32, #tpu.memory_space<hbm>>
      tpu.wait_dma2 semaphore(%arg15 : memref<!tpu.dma_semaphore, #tpu.memory_space<semaphore_mem>>) src(%dma_wait3A_54 : memref<2000xi32, #tpu.memory_space<hbm>>) dst(%arg7 : memref<2000xi32, #tpu.memory_space<vmem>>)
      %dma_wait3A_55 = arith.constant 0 : i32
      %dma_wait3A_56 = tpu.memref_slice %arg3[%dma_wait3A_55] : memref<3200000xi32, #tpu.memory_space<hbm>> -> memref<2000xi32, #tpu.memory_space<hbm>>
      %dma_wait3A_57 = arith.constant 0 : i32
      %dma_wait3A_58 = tpu.memref_slice %arg3[%dma_wait3A_57] : memref<3200000xi32, #tpu.memory_space<hbm>> -> memref<2000xi32, #tpu.memory_space<hbm>>
      tpu.wait_dma2 semaphore(%arg15 : memref<!tpu.dma_semaphore, #tpu.memory_space<semaphore_mem>>) src(%dma_wait3A_58 : memref<2000xi32, #tpu.memory_space<hbm>>) dst(%arg8 : memref<2000xi32, #tpu.memory_space<vmem>>)
      %dma_wait3A_59 = arith.constant 0 : i32
      %dma_wait3A_60 = tpu.memref_slice %arg4[%dma_wait3A_59] : memref<1600000xf32, #tpu.memory_space<hbm>> -> memref<2000xf32, #tpu.memory_space<hbm>>
      %dma_wait3A_61 = arith.constant 0 : i32
      %dma_wait3A_62 = tpu.memref_slice %arg4[%dma_wait3A_61] : memref<1600000xf32, #tpu.memory_space<hbm>> -> memref<2000xf32, #tpu.memory_space<hbm>>
      tpu.wait_dma2 semaphore(%arg15 : memref<!tpu.dma_semaphore, #tpu.memory_space<semaphore_mem>>) src(%dma_wait3A_62 : memref<2000xf32, #tpu.memory_space<hbm>>) dst(%arg9 : memref<2000xf32, #tpu.memory_space<vmem>>)
      %add3A_63 = arith.constant 1 : i32
      %add3A_64 = arith.addi %mul3A_50, %add3A_63 : i32
      %mul3A_65 = arith.constant 2000 : i32
      %mul3A_66 = arith.muli %add3A_64, %mul3A_65 : i32
      %add3A_67 = arith.addi %mul3A_2, %mul3A_66 : i32
      %dma_start3A_68 = tpu.memref_slice %arg3[%add3A_67] : memref<3200000xi32, #tpu.memory_space<hbm>> -> memref<2000xi32, #tpu.memory_space<hbm>>
      %dma_start3A_69 = tpu.memref_slice %arg3[%add3A_67] : memref<3200000xi32, #tpu.memory_space<hbm>> -> memref<2000xi32, #tpu.memory_space<hbm>>
      tpu.enqueue_dma source(%dma_start3A_69 : memref<2000xi32, #tpu.memory_space<hbm>>) target(%arg10 : memref<2000xi32, #tpu.memory_space<vmem>>) target_semaphore(%arg16 : memref<!tpu.dma_semaphore, #tpu.memory_space<semaphore_mem>>)
      %add3A_70 = arith.constant 1600000 : i32
      %add3A_71 = arith.addi %add3A_70, %add3A_67 : i32
      %dma_start3A_72 = tpu.memref_slice %arg3[%add3A_71] : memref<3200000xi32, #tpu.memory_space<hbm>> -> memref<2000xi32, #tpu.memory_space<hbm>>
      %dma_start3A_73 = tpu.memref_slice %arg3[%add3A_71] : memref<3200000xi32, #tpu.memory_space<hbm>> -> memref<2000xi32, #tpu.memory_space<hbm>>
      tpu.enqueue_dma source(%dma_start3A_73 : memref<2000xi32, #tpu.memory_space<hbm>>) target(%arg11 : memref<2000xi32, #tpu.memory_space<vmem>>) target_semaphore(%arg16 : memref<!tpu.dma_semaphore, #tpu.memory_space<semaphore_mem>>)
      %dma_start3A_74 = tpu.memref_slice %arg4[%add3A_67] : memref<1600000xf32, #tpu.memory_space<hbm>> -> memref<2000xf32, #tpu.memory_space<hbm>>
      %dma_start3A_75 = tpu.memref_slice %arg4[%add3A_67] : memref<1600000xf32, #tpu.memory_space<hbm>> -> memref<2000xf32, #tpu.memory_space<hbm>>
      tpu.enqueue_dma source(%dma_start3A_75 : memref<2000xf32, #tpu.memory_space<hbm>>) target(%arg12 : memref<2000xf32, #tpu.memory_space<vmem>>) target_semaphore(%arg16 : memref<!tpu.dma_semaphore, #tpu.memory_space<semaphore_mem>>)
      %scan3A_76 = arith.constant 0 : i32
      %scan3A_77 = arith.constant 25 : i32
      %scan3A_78 = arith.addi %scan3A_76, %scan3A_77 : i32
      %scan3A_79 = arith.constant 1 : i32
      %scan3A_80:5 = scf.for %scan3A_113 = %scan3A_76 to %scan3A_78 step %scan3A_79 iter_args(%scan3A_114 = %scan3A_44, %scan3A_115 = %scan3A_45, %scan3A_116 = %scan3A_46, %scan3A_117 = %scan3A_47, %scan3A_118 = %scan3A_48) -> (vector<16xf32>, vector<16xf32>, vector<16xf32>, vector<16xf32>, vector<16xf32>)  : i32 {
        %mul3A_119 = arith.constant 5 : i32
        %mul3A_120 = arith.muli %scan3A_113, %mul3A_119 : i32
        %add3A_121 = arith.constant 0 : i32
        %add3A_122 = arith.addi %mul3A_120, %add3A_121 : i32
        %mul3A_123 = arith.constant 16 : i32
        %mul3A_124 = arith.muli %add3A_122, %mul3A_123 : i32
        %get3A = arith.index_cast %mul3A_124 : i32 to index
        %get3A_125 = tpu.vector_load %arg7[%get3A] {strides = array<i32>} : memref<2000xi32, #tpu.memory_space<vmem>>, vector<16xi32>,
        %mul3A_126 = arith.constant 16 : i32
        %mul3A_127 = arith.muli %add3A_122, %mul3A_126 : i32
        %get3A_128 = arith.index_cast %mul3A_127 : i32 to index
        %get3A_129 = tpu.vector_load %arg8[%get3A_128] {strides = array<i32>} : memref<2000xi32, #tpu.memory_space<vmem>>, vector<16xi32>,
        %mul3A_130 = arith.constant 16 : i32
        %mul3A_131 = arith.muli %add3A_122, %mul3A_130 : i32
        %get3A_132 = arith.index_cast %mul3A_131 : i32 to index
        %get3A_133 = tpu.vector_load %arg9[%get3A_132] {strides = array<i32>} : memref<2000xf32, #tpu.memory_space<vmem>>, vector<16xf32>,
        %add3A_134 = arith.addi %get3A_125, %get3A_125 : vector<16xi32>
        %add3A_135 = arith.addi %get3A_129, %get3A_129 : vector<16xi32>
        %gather3A = tpu.vector_load_idx %arg6[%add3A_134] : memref<100000xf32, #tpu.memory_space<vmem>>[vector<16xi32>], vector<16xf32>,
        %add3A_136 = arith.constant 1 : i32
        %add3A_137 = vector.broadcast %add3A_136 : i32 to vector<16xi32>
        %add3A_138 = arith.addi %add3A_134, %add3A_137 : vector<16xi32>
        %gather3A_139 = tpu.vector_load_idx %arg6[%add3A_138] : memref<100000xf32, #tpu.memory_space<vmem>>[vector<16xi32>], vector<16xf32>,
        %gather3A_140 = tpu.vector_load_idx %arg6[%add3A_135] : memref<100000xf32, #tpu.memory_space<vmem>>[vector<16xi32>], vector<16xf32>,
        %add3A_141 = arith.constant 1 : i32
        %add3A_142 = vector.broadcast %add3A_141 : i32 to vector<16xi32>
        %add3A_143 = arith.addi %add3A_135, %add3A_142 : vector<16xi32>
        %gather3A_144 = tpu.vector_load_idx %arg6[%add3A_143] : memref<100000xf32, #tpu.memory_space<vmem>>[vector<16xi32>], vector<16xf32>,
        %sub3A = arith.subf %gather3A, %gather3A_140 : vector<16xf32>
        %sub3A_145 = arith.subf %gather3A_139, %gather3A_144 : vector<16xf32>
        %mul3A_146 = arith.mulf %sub3A, %sub3A : vector<16xf32>
        %mul3A_147 = arith.mulf %sub3A_145, %sub3A_145 : vector<16xf32>
        %add3A_148 = arith.addf %mul3A_146, %mul3A_147 : vector<16xf32>
        %max3A = arith.constant 1.000000e-30 : f32
        %max3A_149 = vector.broadcast %max3A : f32 to vector<16xf32>
        %max3A_150 = arith.maximumf %add3A_148, %max3A_149 : vector<16xf32>
        %bitcast3A = vector.bitcast %max3A_150 : vector<16xf32> to vector<16xi32>
        %shift_right_arithmetic3A = arith.constant 1 : i32
        %shift_right_arithmetic3A_151 = vector.broadcast %shift_right_arithmetic3A : i32 to vector<16xi32>
        %shift_right_arithmetic3A_152 = arith.shrsi %bitcast3A, %shift_right_arithmetic3A_151 : vector<16xi32>
        %sub3A_153 = arith.constant 1597463007 : i32
        %sub3A_154 = vector.broadcast %sub3A_153 : i32 to vector<16xi32>
        %sub3A_155 = arith.subi %sub3A_154, %shift_right_arithmetic3A_152 : vector<16xi32>
        %bitcast3A_156 = vector.bitcast %sub3A_155 : vector<16xi32> to vector<16xf32>
        %mul3A_157 = arith.constant 5.000000e-01 : f32
        %mul3A_158 = vector.broadcast %mul3A_157 : f32 to vector<16xf32>
        %mul3A_159 = arith.mulf %mul3A_158, %max3A_150 : vector<16xf32>
        %mul3A_160 = arith.mulf %mul3A_159, %bitcast3A_156 : vector<16xf32>
        %mul3A_161 = arith.mulf %mul3A_160, %bitcast3A_156 : vector<16xf32>
        %sub3A_162 = arith.constant 1.500000e+00 : f32
        %sub3A_163 = vector.broadcast %sub3A_162 : f32 to vector<16xf32>
        %sub3A_164 = arith.subf %sub3A_163, %mul3A_161 : vector<16xf32>
        %mul3A_165 = arith.mulf %bitcast3A_156, %sub3A_164 : vector<16xf32>
        %mul3A_166 = arith.mulf %mul3A_159, %mul3A_165 : vector<16xf32>
        %mul3A_167 = arith.mulf %mul3A_166, %mul3A_165 : vector<16xf32>
        %sub3A_168 = arith.constant 1.500000e+00 : f32
        %sub3A_169 = vector.broadcast %sub3A_168 : f32 to vector<16xf32>
        %sub3A_170 = arith.subf %sub3A_169, %mul3A_167 : vector<16xf32>
        %mul3A_171 = arith.mulf %mul3A_165, %sub3A_170 : vector<16xf32>
        %mul3A_172 = arith.mulf %max3A_150, %mul3A_171 : vector<16xf32>
        %sub3A_173 = arith.subf %mul3A_172, %get3A_133 : vector<16xf32>
        %div3A = arith.divf %sub3A_173, %get3A_133 : vector<16xf32>
        %mul3A_174 = arith.mulf %div3A, %div3A : vector<16xf32>
        %add3A_175 = arith.addf %scan3A_114, %mul3A_174 : vector<16xf32>
        %mul3A_176 = arith.constant 5 : i32
        %mul3A_177 = arith.muli %scan3A_113, %mul3A_176 : i32
        %add3A_178 = arith.constant 1 : i32
        %add3A_179 = arith.addi %mul3A_177, %add3A_178 : i32
        %mul3A_180 = arith.constant 16 : i32
        %mul3A_181 = arith.muli %add3A_179, %mul3A_180 : i32
        %get3A_182 = arith.index_cast %mul3A_181 : i32 to index
        %get3A_183 = tpu.vector_load %arg7[%get3A_182] {strides = array<i32>} : memref<2000xi32, #tpu.memory_space<vmem>>, vector<16xi32>,
        %mul3A_184 = arith.constant 16 : i32
        %mul3A_185 = arith.muli %add3A_179, %mul3A_184 : i32
        %get3A_186 = arith.index_cast %mul3A_185 : i32 to index
        %get3A_187 = tpu.vector_load %arg8[%get3A_186] {strides = array<i32>} : memref<2000xi32, #tpu.memory_space<vmem>>, vector<16xi32>,
        %mul3A_188 = arith.constant 16 : i32
        %mul3A_189 = arith.muli %add3A_179, %mul3A_188 : i32
        %get3A_190 = arith.index_cast %mul3A_189 : i32 to index
        %get3A_191 = tpu.vector_load %arg9[%get3A_190] {strides = array<i32>} : memref<2000xf32, #tpu.memory_space<vmem>>, vector<16xf32>,
        %add3A_192 = arith.addi %get3A_183, %get3A_183 : vector<16xi32>
        %add3A_193 = arith.addi %get3A_187, %get3A_187 : vector<16xi32>
        %gather3A_194 = tpu.vector_load_idx %arg6[%add3A_192] : memref<100000xf32, #tpu.memory_space<vmem>>[vector<16xi32>], vector<16xf32>,
        %add3A_195 = arith.constant 1 : i32
        %add3A_196 = vector.broadcast %add3A_195 : i32 to vector<16xi32>
        %add3A_197 = arith.addi %add3A_192, %add3A_196 : vector<16xi32>
        %gather3A_198 = tpu.vector_load_idx %arg6[%add3A_197] : memref<100000xf32, #tpu.memory_space<vmem>>[vector<16xi32>], vector<16xf32>,
        %gather3A_199 = tpu.vector_load_idx %arg6[%add3A_193] : memref<100000xf32, #tpu.memory_space<vmem>>[vector<16xi32>], vector<16xf32>,
        %add3A_200 = arith.constant 1 : i32
        %add3A_201 = vector.broadcast %add3A_200 : i32 to vector<16xi32>
        %add3A_202 = arith.addi %add3A_193, %add3A_201 : vector<16xi32>
        %gather3A_203 = tpu.vector_load_idx %arg6[%add3A_202] : memref<100000xf32, #tpu.memory_space<vmem>>[vector<16xi32>], vector<16xf32>,
        %sub3A_204 = arith.subf %gather3A_194, %gather3A_199 : vector<16xf32>
        %sub3A_205 = arith.subf %gather3A_198, %gather3A_203 : vector<16xf32>
        %mul3A_206 = arith.mulf %sub3A_204, %sub3A_204 : vector<16xf32>
        %mul3A_207 = arith.mulf %sub3A_205, %sub3A_205 : vector<16xf32>
        %add3A_208 = arith.addf %mul3A_206, %mul3A_207 : vector<16xf32>
        %max3A_209 = arith.constant 1.000000e-30 : f32
        %max3A_210 = vector.broadcast %max3A_209 : f32 to vector<16xf32>
        %max3A_211 = arith.maximumf %add3A_208, %max3A_210 : vector<16xf32>
        %bitcast3A_212 = vector.bitcast %max3A_211 : vector<16xf32> to vector<16xi32>
        %shift_right_arithmetic3A_213 = arith.constant 1 : i32
        %shift_right_arithmetic3A_214 = vector.broadcast %shift_right_arithmetic3A_213 : i32 to vector<16xi32>
        %shift_right_arithmetic3A_215 = arith.shrsi %bitcast3A_212, %shift_right_arithmetic3A_214 : vector<16xi32>
        %sub3A_216 = arith.constant 1597463007 : i32
        %sub3A_217 = vector.broadcast %sub3A_216 : i32 to vector<16xi32>
        %sub3A_218 = arith.subi %sub3A_217, %shift_right_arithmetic3A_215 : vector<16xi32>
        %bitcast3A_219 = vector.bitcast %sub3A_218 : vector<16xi32> to vector<16xf32>
        %mul3A_220 = arith.constant 5.000000e-01 : f32
        %mul3A_221 = vector.broadcast %mul3A_220 : f32 to vector<16xf32>
        %mul3A_222 = arith.mulf %mul3A_221, %max3A_211 : vector<16xf32>
        %mul3A_223 = arith.mulf %mul3A_222, %bitcast3A_219 : vector<16xf32>
        %mul3A_224 = arith.mulf %mul3A_223, %bitcast3A_219 : vector<16xf32>
        %sub3A_225 = arith.constant 1.500000e+00 : f32
        %sub3A_226 = vector.broadcast %sub3A_225 : f32 to vector<16xf32>
        %sub3A_227 = arith.subf %sub3A_226, %mul3A_224 : vector<16xf32>
        %mul3A_228 = arith.mulf %bitcast3A_219, %sub3A_227 : vector<16xf32>
        %mul3A_229 = arith.mulf %mul3A_222, %mul3A_228 : vector<16xf32>
        %mul3A_230 = arith.mulf %mul3A_229, %mul3A_228 : vector<16xf32>
        %sub3A_231 = arith.constant 1.500000e+00 : f32
        %sub3A_232 = vector.broadcast %sub3A_231 : f32 to vector<16xf32>
        %sub3A_233 = arith.subf %sub3A_232, %mul3A_230 : vector<16xf32>
        %mul3A_234 = arith.mulf %mul3A_228, %sub3A_233 : vector<16xf32>
        %mul3A_235 = arith.mulf %max3A_211, %mul3A_234 : vector<16xf32>
        %sub3A_236 = arith.subf %mul3A_235, %get3A_191 : vector<16xf32>
        %div3A_237 = arith.divf %sub3A_236, %get3A_191 : vector<16xf32>
        %mul3A_238 = arith.mulf %div3A_237, %div3A_237 : vector<16xf32>
        %add3A_239 = arith.addf %scan3A_115, %mul3A_238 : vector<16xf32>
        %mul3A_240 = arith.constant 5 : i32
        %mul3A_241 = arith.muli %scan3A_113, %mul3A_240 : i32
        %add3A_242 = arith.constant 2 : i32
        %add3A_243 = arith.addi %mul3A_241, %add3A_242 : i32
        %mul3A_244 = arith.constant 16 : i32
        %mul3A_245 = arith.muli %add3A_243, %mul3A_244 : i32
        %get3A_246 = arith.index_cast %mul3A_245 : i32 to index
        %get3A_247 = tpu.vector_load %arg7[%get3A_246] {strides = array<i32>} : memref<2000xi32, #tpu.memory_space<vmem>>, vector<16xi32>,
        %mul3A_248 = arith.constant 16 : i32
        %mul3A_249 = arith.muli %add3A_243, %mul3A_248 : i32
        %get3A_250 = arith.index_cast %mul3A_249 : i32 to index
        %get3A_251 = tpu.vector_load %arg8[%get3A_250] {strides = array<i32>} : memref<2000xi32, #tpu.memory_space<vmem>>, vector<16xi32>,
        %mul3A_252 = arith.constant 16 : i32
        %mul3A_253 = arith.muli %add3A_243, %mul3A_252 : i32
        %get3A_254 = arith.index_cast %mul3A_253 : i32 to index
        %get3A_255 = tpu.vector_load %arg9[%get3A_254] {strides = array<i32>} : memref<2000xf32, #tpu.memory_space<vmem>>, vector<16xf32>,
        %add3A_256 = arith.addi %get3A_247, %get3A_247 : vector<16xi32>
        %add3A_257 = arith.addi %get3A_251, %get3A_251 : vector<16xi32>
        %gather3A_258 = tpu.vector_load_idx %arg6[%add3A_256] : memref<100000xf32, #tpu.memory_space<vmem>>[vector<16xi32>], vector<16xf32>,
        %add3A_259 = arith.constant 1 : i32
        %add3A_260 = vector.broadcast %add3A_259 : i32 to vector<16xi32>
        %add3A_261 = arith.addi %add3A_256, %add3A_260 : vector<16xi32>
        %gather3A_262 = tpu.vector_load_idx %arg6[%add3A_261] : memref<100000xf32, #tpu.memory_space<vmem>>[vector<16xi32>], vector<16xf32>,
        %gather3A_263 = tpu.vector_load_idx %arg6[%add3A_257] : memref<100000xf32, #tpu.memory_space<vmem>>[vector<16xi32>], vector<16xf32>,
        %add3A_264 = arith.constant 1 : i32
        %add3A_265 = vector.broadcast %add3A_264 : i32 to vector<16xi32>
        %add3A_266 = arith.addi %add3A_257, %add3A_265 : vector<16xi32>
        %gather3A_267 = tpu.vector_load_idx %arg6[%add3A_266] : memref<100000xf32, #tpu.memory_space<vmem>>[vector<16xi32>], vector<16xf32>,
        %sub3A_268 = arith.subf %gather3A_258, %gather3A_263 : vector<16xf32>
        %sub3A_269 = arith.subf %gather3A_262, %gather3A_267 : vector<16xf32>
        %mul3A_270 = arith.mulf %sub3A_268, %sub3A_268 : vector<16xf32>
        %mul3A_271 = arith.mulf %sub3A_269, %sub3A_269 : vector<16xf32>
        %add3A_272 = arith.addf %mul3A_270, %mul3A_271 : vector<16xf32>
        %max3A_273 = arith.constant 1.000000e-30 : f32
        %max3A_274 = vector.broadcast %max3A_273 : f32 to vector<16xf32>
        %max3A_275 = arith.maximumf %add3A_272, %max3A_274 : vector<16xf32>
        %bitcast3A_276 = vector.bitcast %max3A_275 : vector<16xf32> to vector<16xi32>
        %shift_right_arithmetic3A_277 = arith.constant 1 : i32
        %shift_right_arithmetic3A_278 = vector.broadcast %shift_right_arithmetic3A_277 : i32 to vector<16xi32>
        %shift_right_arithmetic3A_279 = arith.shrsi %bitcast3A_276, %shift_right_arithmetic3A_278 : vector<16xi32>
        %sub3A_280 = arith.constant 1597463007 : i32
        %sub3A_281 = vector.broadcast %sub3A_280 : i32 to vector<16xi32>
        %sub3A_282 = arith.subi %sub3A_281, %shift_right_arithmetic3A_279 : vector<16xi32>
        %bitcast3A_283 = vector.bitcast %sub3A_282 : vector<16xi32> to vector<16xf32>
        %mul3A_284 = arith.constant 5.000000e-01 : f32
        %mul3A_285 = vector.broadcast %mul3A_284 : f32 to vector<16xf32>
        %mul3A_286 = arith.mulf %mul3A_285, %max3A_275 : vector<16xf32>
        %mul3A_287 = arith.mulf %mul3A_286, %bitcast3A_283 : vector<16xf32>
        %mul3A_288 = arith.mulf %mul3A_287, %bitcast3A_283 : vector<16xf32>
        %sub3A_289 = arith.constant 1.500000e+00 : f32
        %sub3A_290 = vector.broadcast %sub3A_289 : f32 to vector<16xf32>
        %sub3A_291 = arith.subf %sub3A_290, %mul3A_288 : vector<16xf32>
        %mul3A_292 = arith.mulf %bitcast3A_283, %sub3A_291 : vector<16xf32>
        %mul3A_293 = arith.mulf %mul3A_286, %mul3A_292 : vector<16xf32>
        %mul3A_294 = arith.mulf %mul3A_293, %mul3A_292 : vector<16xf32>
        %sub3A_295 = arith.constant 1.500000e+00 : f32
        %sub3A_296 = vector.broadcast %sub3A_295 : f32 to vector<16xf32>
        %sub3A_297 = arith.subf %sub3A_296, %mul3A_294 : vector<16xf32>
        %mul3A_298 = arith.mulf %mul3A_292, %sub3A_297 : vector<16xf32>
        %mul3A_299 = arith.mulf %max3A_275, %mul3A_298 : vector<16xf32>
        %sub3A_300 = arith.subf %mul3A_299, %get3A_255 : vector<16xf32>
        %div3A_301 = arith.divf %sub3A_300, %get3A_255 : vector<16xf32>
        %mul3A_302 = arith.mulf %div3A_301, %div3A_301 : vector<16xf32>
        %add3A_303 = arith.addf %scan3A_116, %mul3A_302 : vector<16xf32>
        %mul3A_304 = arith.constant 5 : i32
        %mul3A_305 = arith.muli %scan3A_113, %mul3A_304 : i32
        %add3A_306 = arith.constant 3 : i32
        %add3A_307 = arith.addi %mul3A_305, %add3A_306 : i32
        %mul3A_308 = arith.constant 16 : i32
        %mul3A_309 = arith.muli %add3A_307, %mul3A_308 : i32
        %get3A_310 = arith.index_cast %mul3A_309 : i32 to index
        %get3A_311 = tpu.vector_load %arg7[%get3A_310] {strides = array<i32>} : memref<2000xi32, #tpu.memory_space<vmem>>, vector<16xi32>,
        %mul3A_312 = arith.constant 16 : i32
        %mul3A_313 = arith.muli %add3A_307, %mul3A_312 : i32
        %get3A_314 = arith.index_cast %mul3A_313 : i32 to index
        %get3A_315 = tpu.vector_load %arg8[%get3A_314] {strides = array<i32>} : memref<2000xi32, #tpu.memory_space<vmem>>, vector<16xi32>,
        %mul3A_316 = arith.constant 16 : i32
        %mul3A_317 = arith.muli %add3A_307, %mul3A_316 : i32
        %get3A_318 = arith.index_cast %mul3A_317 : i32 to index
        %get3A_319 = tpu.vector_load %arg9[%get3A_318] {strides = array<i32>} : memref<2000xf32, #tpu.memory_space<vmem>>, vector<16xf32>,
        %add3A_320 = arith.addi %get3A_311, %get3A_311 : vector<16xi32>
        %add3A_321 = arith.addi %get3A_315, %get3A_315 : vector<16xi32>
        %gather3A_322 = tpu.vector_load_idx %arg6[%add3A_320] : memref<100000xf32, #tpu.memory_space<vmem>>[vector<16xi32>], vector<16xf32>,
        %add3A_323 = arith.constant 1 : i32
        %add3A_324 = vector.broadcast %add3A_323 : i32 to vector<16xi32>
        %add3A_325 = arith.addi %add3A_320, %add3A_324 : vector<16xi32>
        %gather3A_326 = tpu.vector_load_idx %arg6[%add3A_325] : memref<100000xf32, #tpu.memory_space<vmem>>[vector<16xi32>], vector<16xf32>,
        %gather3A_327 = tpu.vector_load_idx %arg6[%add3A_321] : memref<100000xf32, #tpu.memory_space<vmem>>[vector<16xi32>], vector<16xf32>,
        %add3A_328 = arith.constant 1 : i32
        %add3A_329 = vector.broadcast %add3A_328 : i32 to vector<16xi32>
        %add3A_330 = arith.addi %add3A_321, %add3A_329 : vector<16xi32>
        %gather3A_331 = tpu.vector_load_idx %arg6[%add3A_330] : memref<100000xf32, #tpu.memory_space<vmem>>[vector<16xi32>], vector<16xf32>,
        %sub3A_332 = arith.subf %gather3A_322, %gather3A_327 : vector<16xf32>
        %sub3A_333 = arith.subf %gather3A_326, %gather3A_331 : vector<16xf32>
        %mul3A_334 = arith.mulf %sub3A_332, %sub3A_332 : vector<16xf32>
        %mul3A_335 = arith.mulf %sub3A_333, %sub3A_333 : vector<16xf32>
        %add3A_336 = arith.addf %mul3A_334, %mul3A_335 : vector<16xf32>
        %max3A_337 = arith.constant 1.000000e-30 : f32
        %max3A_338 = vector.broadcast %max3A_337 : f32 to vector<16xf32>
        %max3A_339 = arith.maximumf %add3A_336, %max3A_338 : vector<16xf32>
        %bitcast3A_340 = vector.bitcast %max3A_339 : vector<16xf32> to vector<16xi32>
        %shift_right_arithmetic3A_341 = arith.constant 1 : i32
        %shift_right_arithmetic3A_342 = vector.broadcast %shift_right_arithmetic3A_341 : i32 to vector<16xi32>
        %shift_right_arithmetic3A_343 = arith.shrsi %bitcast3A_340, %shift_right_arithmetic3A_342 : vector<16xi32>
        %sub3A_344 = arith.constant 1597463007 : i32
        %sub3A_345 = vector.broadcast %sub3A_344 : i32 to vector<16xi32>
        %sub3A_346 = arith.subi %sub3A_345, %shift_right_arithmetic3A_343 : vector<16xi32>
        %bitcast3A_347 = vector.bitcast %sub3A_346 : vector<16xi32> to vector<16xf32>
        %mul3A_348 = arith.constant 5.000000e-01 : f32
        %mul3A_349 = vector.broadcast %mul3A_348 : f32 to vector<16xf32>
        %mul3A_350 = arith.mulf %mul3A_349, %max3A_339 : vector<16xf32>
        %mul3A_351 = arith.mulf %mul3A_350, %bitcast3A_347 : vector<16xf32>
        %mul3A_352 = arith.mulf %mul3A_351, %bitcast3A_347 : vector<16xf32>
        %sub3A_353 = arith.constant 1.500000e+00 : f32
        %sub3A_354 = vector.broadcast %sub3A_353 : f32 to vector<16xf32>
        %sub3A_355 = arith.subf %sub3A_354, %mul3A_352 : vector<16xf32>
        %mul3A_356 = arith.mulf %bitcast3A_347, %sub3A_355 : vector<16xf32>
        %mul3A_357 = arith.mulf %mul3A_350, %mul3A_356 : vector<16xf32>
        %mul3A_358 = arith.mulf %mul3A_357, %mul3A_356 : vector<16xf32>
        %sub3A_359 = arith.constant 1.500000e+00 : f32
        %sub3A_360 = vector.broadcast %sub3A_359 : f32 to vector<16xf32>
        %sub3A_361 = arith.subf %sub3A_360, %mul3A_358 : vector<16xf32>
        %mul3A_362 = arith.mulf %mul3A_356, %sub3A_361 : vector<16xf32>
        %mul3A_363 = arith.mulf %max3A_339, %mul3A_362 : vector<16xf32>
        %sub3A_364 = arith.subf %mul3A_363, %get3A_319 : vector<16xf32>
        %div3A_365 = arith.divf %sub3A_364, %get3A_319 : vector<16xf32>
        %mul3A_366 = arith.mulf %div3A_365, %div3A_365 : vector<16xf32>
        %add3A_367 = arith.addf %scan3A_117, %mul3A_366 : vector<16xf32>
        %mul3A_368 = arith.constant 5 : i32
        %mul3A_369 = arith.muli %scan3A_113, %mul3A_368 : i32
        %add3A_370 = arith.constant 4 : i32
        %add3A_371 = arith.addi %mul3A_369, %add3A_370 : i32
        %mul3A_372 = arith.constant 16 : i32
        %mul3A_373 = arith.muli %add3A_371, %mul3A_372 : i32
        %get3A_374 = arith.index_cast %mul3A_373 : i32 to index
        %get3A_375 = tpu.vector_load %arg7[%get3A_374] {strides = array<i32>} : memref<2000xi32, #tpu.memory_space<vmem>>, vector<16xi32>,
        %mul3A_376 = arith.constant 16 : i32
        %mul3A_377 = arith.muli %add3A_371, %mul3A_376 : i32
        %get3A_378 = arith.index_cast %mul3A_377 : i32 to index
        %get3A_379 = tpu.vector_load %arg8[%get3A_378] {strides = array<i32>} : memref<2000xi32, #tpu.memory_space<vmem>>, vector<16xi32>,
        %mul3A_380 = arith.constant 16 : i32
        %mul3A_381 = arith.muli %add3A_371, %mul3A_380 : i32
        %get3A_382 = arith.index_cast %mul3A_381 : i32 to index
        %get3A_383 = tpu.vector_load %arg9[%get3A_382] {strides = array<i32>} : memref<2000xf32, #tpu.memory_space<vmem>>, vector<16xf32>,
        %add3A_384 = arith.addi %get3A_375, %get3A_375 : vector<16xi32>
        %add3A_385 = arith.addi %get3A_379, %get3A_379 : vector<16xi32>
        %gather3A_386 = tpu.vector_load_idx %arg6[%add3A_384] : memref<100000xf32, #tpu.memory_space<vmem>>[vector<16xi32>], vector<16xf32>,
        %add3A_387 = arith.constant 1 : i32
        %add3A_388 = vector.broadcast %add3A_387 : i32 to vector<16xi32>
        %add3A_389 = arith.addi %add3A_384, %add3A_388 : vector<16xi32>
        %gather3A_390 = tpu.vector_load_idx %arg6[%add3A_389] : memref<100000xf32, #tpu.memory_space<vmem>>[vector<16xi32>], vector<16xf32>,
        %gather3A_391 = tpu.vector_load_idx %arg6[%add3A_385] : memref<100000xf32, #tpu.memory_space<vmem>>[vector<16xi32>], vector<16xf32>,
        %add3A_392 = arith.constant 1 : i32
        %add3A_393 = vector.broadcast %add3A_392 : i32 to vector<16xi32>
        %add3A_394 = arith.addi %add3A_385, %add3A_393 : vector<16xi32>
        %gather3A_395 = tpu.vector_load_idx %arg6[%add3A_394] : memref<100000xf32, #tpu.memory_space<vmem>>[vector<16xi32>], vector<16xf32>,
        %sub3A_396 = arith.subf %gather3A_386, %gather3A_391 : vector<16xf32>
        %sub3A_397 = arith.subf %gather3A_390, %gather3A_395 : vector<16xf32>
        %mul3A_398 = arith.mulf %sub3A_396, %sub3A_396 : vector<16xf32>
        %mul3A_399 = arith.mulf %sub3A_397, %sub3A_397 : vector<16xf32>
        %add3A_400 = arith.addf %mul3A_398, %mul3A_399 : vector<16xf32>
        %max3A_401 = arith.constant 1.000000e-30 : f32
        %max3A_402 = vector.broadcast %max3A_401 : f32 to vector<16xf32>
        %max3A_403 = arith.maximumf %add3A_400, %max3A_402 : vector<16xf32>
        %bitcast3A_404 = vector.bitcast %max3A_403 : vector<16xf32> to vector<16xi32>
        %shift_right_arithmetic3A_405 = arith.constant 1 : i32
        %shift_right_arithmetic3A_406 = vector.broadcast %shift_right_arithmetic3A_405 : i32 to vector<16xi32>
        %shift_right_arithmetic3A_407 = arith.shrsi %bitcast3A_404, %shift_right_arithmetic3A_406 : vector<16xi32>
        %sub3A_408 = arith.constant 1597463007 : i32
        %sub3A_409 = vector.broadcast %sub3A_408 : i32 to vector<16xi32>
        %sub3A_410 = arith.subi %sub3A_409, %shift_right_arithmetic3A_407 : vector<16xi32>
        %bitcast3A_411 = vector.bitcast %sub3A_410 : vector<16xi32> to vector<16xf32>
        %mul3A_412 = arith.constant 5.000000e-01 : f32
        %mul3A_413 = vector.broadcast %mul3A_412 : f32 to vector<16xf32>
        %mul3A_414 = arith.mulf %mul3A_413, %max3A_403 : vector<16xf32>
        %mul3A_415 = arith.mulf %mul3A_414, %bitcast3A_411 : vector<16xf32>
        %mul3A_416 = arith.mulf %mul3A_415, %bitcast3A_411 : vector<16xf32>
        %sub3A_417 = arith.constant 1.500000e+00 : f32
        %sub3A_418 = vector.broadcast %sub3A_417 : f32 to vector<16xf32>
        %sub3A_419 = arith.subf %sub3A_418, %mul3A_416 : vector<16xf32>
        %mul3A_420 = arith.mulf %bitcast3A_411, %sub3A_419 : vector<16xf32>
        %mul3A_421 = arith.mulf %mul3A_414, %mul3A_420 : vector<16xf32>
        %mul3A_422 = arith.mulf %mul3A_421, %mul3A_420 : vector<16xf32>
        %sub3A_423 = arith.constant 1.500000e+00 : f32
        %sub3A_424 = vector.broadcast %sub3A_423 : f32 to vector<16xf32>
        %sub3A_425 = arith.subf %sub3A_424, %mul3A_422 : vector<16xf32>
        %mul3A_426 = arith.mulf %mul3A_420, %sub3A_425 : vector<16xf32>
        %mul3A_427 = arith.mulf %max3A_403, %mul3A_426 : vector<16xf32>
        %sub3A_428 = arith.subf %mul3A_427, %get3A_383 : vector<16xf32>
        %div3A_429 = arith.divf %sub3A_428, %get3A_383 : vector<16xf32>
        %mul3A_430 = arith.mulf %div3A_429, %div3A_429 : vector<16xf32>
        %add3A_431 = arith.addf %scan3A_118, %mul3A_430 : vector<16xf32>
        scf.yield %add3A_175, %add3A_239, %add3A_303, %add3A_367, %add3A_431 : vector<16xf32>, vector<16xf32>, vector<16xf32>, vector<16xf32>, vector<16xf32>
      }
      %scan3A_81 = arith.constant 25 : i32
      %dma_wait3A_82 = arith.constant 0 : i32
      %dma_wait3A_83 = tpu.memref_slice %arg3[%dma_wait3A_82] : memref<3200000xi32, #tpu.memory_space<hbm>> -> memref<2000xi32, #tpu.memory_space<hbm>>
      %dma_wait3A_84 = arith.constant 0 : i32
      %dma_wait3A_85 = tpu.memref_slice %arg3[%dma_wait3A_84] : memref<3200000xi32, #tpu.memory_space<hbm>> -> memref<2000xi32, #tpu.memory_space<hbm>>
      tpu.wait_dma2 semaphore(%arg16 : memref<!tpu.dma_semaphore, #tpu.memory_space<semaphore_mem>>) src(%dma_wait3A_85 : memref<2000xi32, #tpu.memory_space<hbm>>) dst(%arg10 : memref<2000xi32, #tpu.memory_space<vmem>>)
      %dma_wait3A_86 = arith.constant 0 : i32
      %dma_wait3A_87 = tpu.memref_slice %arg3[%dma_wait3A_86] : memref<3200000xi32, #tpu.memory_space<hbm>> -> memref<2000xi32, #tpu.memory_space<hbm>>
      %dma_wait3A_88 = arith.constant 0 : i32
      %dma_wait3A_89 = tpu.memref_slice %arg3[%dma_wait3A_88] : memref<3200000xi32, #tpu.memory_space<hbm>> -> memref<2000xi32, #tpu.memory_space<hbm>>
      tpu.wait_dma2 semaphore(%arg16 : memref<!tpu.dma_semaphore, #tpu.memory_space<semaphore_mem>>) src(%dma_wait3A_89 : memref<2000xi32, #tpu.memory_space<hbm>>) dst(%arg11 : memref<2000xi32, #tpu.memory_space<vmem>>)
      %dma_wait3A_90 = arith.constant 0 : i32
      %dma_wait3A_91 = tpu.memref_slice %arg4[%dma_wait3A_90] : memref<1600000xf32, #tpu.memory_space<hbm>> -> memref<2000xf32, #tpu.memory_space<hbm>>
      %dma_wait3A_92 = arith.constant 0 : i32
      %dma_wait3A_93 = tpu.memref_slice %arg4[%dma_wait3A_92] : memref<1600000xf32, #tpu.memory_space<hbm>> -> memref<2000xf32, #tpu.memory_space<hbm>>
      tpu.wait_dma2 semaphore(%arg16 : memref<!tpu.dma_semaphore, #tpu.memory_space<semaphore_mem>>) src(%dma_wait3A_93 : memref<2000xf32, #tpu.memory_space<hbm>>) dst(%arg12 : memref<2000xf32, #tpu.memory_space<vmem>>)
      %add3A_94 = arith.constant 2 : i32
      %add3A_95 = arith.addi %mul3A_50, %add3A_94 : i32
      %mul3A_96 = arith.constant 2000 : i32
      %mul3A_97 = arith.muli %add3A_95, %mul3A_96 : i32
      %add3A_98 = arith.addi %mul3A_2, %mul3A_97 : i32
      %dma_start3A_99 = tpu.memref_slice %arg3[%add3A_98] : memref<3200000xi32, #tpu.memory_space<hbm>> -> memref<2000xi32, #tpu.memory_space<hbm>>
      %dma_start3A_100 = tpu.memref_slice %arg3[%add3A_98] : memref<3200000xi32, #tpu.memory_space<hbm>> -> memref<2000xi32, #tpu.memory_space<hbm>>
      tpu.enqueue_dma source(%dma_start3A_100 : memref<2000xi32, #tpu.memory_space<hbm>>) target(%arg7 : memref<2000xi32, #tpu.memory_space<vmem>>) target_semaphore(%arg15 : memref<!tpu.dma_semaphore, #tpu.memory_space<semaphore_mem>>)
      %add3A_101 = arith.constant 1600000 : i32
      %add3A_102 = arith.addi %add3A_101, %add3A_98 : i32
      %dma_start3A_103 = tpu.memref_slice %arg3[%add3A_102] : memref<3200000xi32, #tpu.memory_space<hbm>> -> memref<2000xi32, #tpu.memory_space<hbm>>
      %dma_start3A_104 = tpu.memref_slice %arg3[%add3A_102] : memref<3200000xi32, #tpu.memory_space<hbm>> -> memref<2000xi32, #tpu.memory_space<hbm>>
      tpu.enqueue_dma source(%dma_start3A_104 : memref<2000xi32, #tpu.memory_space<hbm>>) target(%arg8 : memref<2000xi32, #tpu.memory_space<vmem>>) target_semaphore(%arg15 : memref<!tpu.dma_semaphore, #tpu.memory_space<semaphore_mem>>)
      %dma_start3A_105 = tpu.memref_slice %arg4[%add3A_98] : memref<1600000xf32, #tpu.memory_space<hbm>> -> memref<2000xf32, #tpu.memory_space<hbm>>
      %dma_start3A_106 = tpu.memref_slice %arg4[%add3A_98] : memref<1600000xf32, #tpu.memory_space<hbm>> -> memref<2000xf32, #tpu.memory_space<hbm>>
      tpu.enqueue_dma source(%dma_start3A_106 : memref<2000xf32, #tpu.memory_space<hbm>>) target(%arg9 : memref<2000xf32, #tpu.memory_space<vmem>>) target_semaphore(%arg15 : memref<!tpu.dma_semaphore, #tpu.memory_space<semaphore_mem>>)
      %scan3A_107 = arith.constant 0 : i32
      %scan3A_108 = arith.constant 25 : i32
      %scan3A_109 = arith.addi %scan3A_107, %scan3A_108 : i32
      %scan3A_110 = arith.constant 1 : i32
      %scan3A_111:5 = scf.for %scan3A_113 = %scan3A_107 to %scan3A_109 step %scan3A_110 iter_args(%scan3A_114 = %scan3A_80#0, %scan3A_115 = %scan3A_80#1, %scan3A_116 = %scan3A_80#2, %scan3A_117 = %scan3A_80#3, %scan3A_118 = %scan3A_80#4) -> (vector<16xf32>, vector<16xf32>, vector<16xf32>, vector<16xf32>, vector<16xf32>)  : i32 {
        %mul3A_119 = arith.constant 5 : i32
        %mul3A_120 = arith.muli %scan3A_113, %mul3A_119 : i32
        %add3A_121 = arith.constant 0 : i32
        %add3A_122 = arith.addi %mul3A_120, %add3A_121 : i32
        %mul3A_123 = arith.constant 16 : i32
        %mul3A_124 = arith.muli %add3A_122, %mul3A_123 : i32
        %get3A = arith.index_cast %mul3A_124 : i32 to index
        %get3A_125 = tpu.vector_load %arg10[%get3A] {strides = array<i32>} : memref<2000xi32, #tpu.memory_space<vmem>>, vector<16xi32>,
        %mul3A_126 = arith.constant 16 : i32
        %mul3A_127 = arith.muli %add3A_122, %mul3A_126 : i32
        %get3A_128 = arith.index_cast %mul3A_127 : i32 to index
        %get3A_129 = tpu.vector_load %arg11[%get3A_128] {strides = array<i32>} : memref<2000xi32, #tpu.memory_space<vmem>>, vector<16xi32>,
        %mul3A_130 = arith.constant 16 : i32
        %mul3A_131 = arith.muli %add3A_122, %mul3A_130 : i32
        %get3A_132 = arith.index_cast %mul3A_131 : i32 to index
        %get3A_133 = tpu.vector_load %arg12[%get3A_132] {strides = array<i32>} : memref<2000xf32, #tpu.memory_space<vmem>>, vector<16xf32>,
        %add3A_134 = arith.addi %get3A_125, %get3A_125 : vector<16xi32>
        %add3A_135 = arith.addi %get3A_129, %get3A_129 : vector<16xi32>
        %gather3A = tpu.vector_load_idx %arg6[%add3A_134] : memref<100000xf32, #tpu.memory_space<vmem>>[vector<16xi32>], vector<16xf32>,
        %add3A_136 = arith.constant 1 : i32
        %add3A_137 = vector.broadcast %add3A_136 : i32 to vector<16xi32>
        %add3A_138 = arith.addi %add3A_134, %add3A_137 : vector<16xi32>
        %gather3A_139 = tpu.vector_load_idx %arg6[%add3A_138] : memref<100000xf32, #tpu.memory_space<vmem>>[vector<16xi32>], vector<16xf32>,
        %gather3A_140 = tpu.vector_load_idx %arg6[%add3A_135] : memref<100000xf32, #tpu.memory_space<vmem>>[vector<16xi32>], vector<16xf32>,
        %add3A_141 = arith.constant 1 : i32
        %add3A_142 = vector.broadcast %add3A_141 : i32 to vector<16xi32>
        %add3A_143 = arith.addi %add3A_135, %add3A_142 : vector<16xi32>
        %gather3A_144 = tpu.vector_load_idx %arg6[%add3A_143] : memref<100000xf32, #tpu.memory_space<vmem>>[vector<16xi32>], vector<16xf32>,
        %sub3A = arith.subf %gather3A, %gather3A_140 : vector<16xf32>
        %sub3A_145 = arith.subf %gather3A_139, %gather3A_144 : vector<16xf32>
        %mul3A_146 = arith.mulf %sub3A, %sub3A : vector<16xf32>
        %mul3A_147 = arith.mulf %sub3A_145, %sub3A_145 : vector<16xf32>
        %add3A_148 = arith.addf %mul3A_146, %mul3A_147 : vector<16xf32>
        %max3A = arith.constant 1.000000e-30 : f32
        %max3A_149 = vector.broadcast %max3A : f32 to vector<16xf32>
        %max3A_150 = arith.maximumf %add3A_148, %max3A_149 : vector<16xf32>
        %bitcast3A = vector.bitcast %max3A_150 : vector<16xf32> to vector<16xi32>
        %shift_right_arithmetic3A = arith.constant 1 : i32
        %shift_right_arithmetic3A_151 = vector.broadcast %shift_right_arithmetic3A : i32 to vector<16xi32>
        %shift_right_arithmetic3A_152 = arith.shrsi %bitcast3A, %shift_right_arithmetic3A_151 : vector<16xi32>
        %sub3A_153 = arith.constant 1597463007 : i32
        %sub3A_154 = vector.broadcast %sub3A_153 : i32 to vector<16xi32>
        %sub3A_155 = arith.subi %sub3A_154, %shift_right_arithmetic3A_152 : vector<16xi32>
        %bitcast3A_156 = vector.bitcast %sub3A_155 : vector<16xi32> to vector<16xf32>
        %mul3A_157 = arith.constant 5.000000e-01 : f32
        %mul3A_158 = vector.broadcast %mul3A_157 : f32 to vector<16xf32>
        %mul3A_159 = arith.mulf %mul3A_158, %max3A_150 : vector<16xf32>
        %mul3A_160 = arith.mulf %mul3A_159, %bitcast3A_156 : vector<16xf32>
        %mul3A_161 = arith.mulf %mul3A_160, %bitcast3A_156 : vector<16xf32>
        %sub3A_162 = arith.constant 1.500000e+00 : f32
        %sub3A_163 = vector.broadcast %sub3A_162 : f32 to vector<16xf32>
        %sub3A_164 = arith.subf %sub3A_163, %mul3A_161 : vector<16xf32>
        %mul3A_165 = arith.mulf %bitcast3A_156, %sub3A_164 : vector<16xf32>
        %mul3A_166 = arith.mulf %mul3A_159, %mul3A_165 : vector<16xf32>
        %mul3A_167 = arith.mulf %mul3A_166, %mul3A_165 : vector<16xf32>
        %sub3A_168 = arith.constant 1.500000e+00 : f32
        %sub3A_169 = vector.broadcast %sub3A_168 : f32 to vector<16xf32>
        %sub3A_170 = arith.subf %sub3A_169, %mul3A_167 : vector<16xf32>
        %mul3A_171 = arith.mulf %mul3A_165, %sub3A_170 : vector<16xf32>
        %mul3A_172 = arith.mulf %max3A_150, %mul3A_171 : vector<16xf32>
        %sub3A_173 = arith.subf %mul3A_172, %get3A_133 : vector<16xf32>
        %div3A = arith.divf %sub3A_173, %get3A_133 : vector<16xf32>
        %mul3A_174 = arith.mulf %div3A, %div3A : vector<16xf32>
        %add3A_175 = arith.addf %scan3A_114, %mul3A_174 : vector<16xf32>
        %mul3A_176 = arith.constant 5 : i32
        %mul3A_177 = arith.muli %scan3A_113, %mul3A_176 : i32
        %add3A_178 = arith.constant 1 : i32
        %add3A_179 = arith.addi %mul3A_177, %add3A_178 : i32
        %mul3A_180 = arith.constant 16 : i32
        %mul3A_181 = arith.muli %add3A_179, %mul3A_180 : i32
        %get3A_182 = arith.index_cast %mul3A_181 : i32 to index
        %get3A_183 = tpu.vector_load %arg10[%get3A_182] {strides = array<i32>} : memref<2000xi32, #tpu.memory_space<vmem>>, vector<16xi32>,
        %mul3A_184 = arith.constant 16 : i32
        %mul3A_185 = arith.muli %add3A_179, %mul3A_184 : i32
        %get3A_186 = arith.index_cast %mul3A_185 : i32 to index
        %get3A_187 = tpu.vector_load %arg11[%get3A_186] {strides = array<i32>} : memref<2000xi32, #tpu.memory_space<vmem>>, vector<16xi32>,
        %mul3A_188 = arith.constant 16 : i32
        %mul3A_189 = arith.muli %add3A_179, %mul3A_188 : i32
        %get3A_190 = arith.index_cast %mul3A_189 : i32 to index
        %get3A_191 = tpu.vector_load %arg12[%get3A_190] {strides = array<i32>} : memref<2000xf32, #tpu.memory_space<vmem>>, vector<16xf32>,
        %add3A_192 = arith.addi %get3A_183, %get3A_183 : vector<16xi32>
        %add3A_193 = arith.addi %get3A_187, %get3A_187 : vector<16xi32>
        %gather3A_194 = tpu.vector_load_idx %arg6[%add3A_192] : memref<100000xf32, #tpu.memory_space<vmem>>[vector<16xi32>], vector<16xf32>,
        %add3A_195 = arith.constant 1 : i32
        %add3A_196 = vector.broadcast %add3A_195 : i32 to vector<16xi32>
        %add3A_197 = arith.addi %add3A_192, %add3A_196 : vector<16xi32>
        %gather3A_198 = tpu.vector_load_idx %arg6[%add3A_197] : memref<100000xf32, #tpu.memory_space<vmem>>[vector<16xi32>], vector<16xf32>,
        %gather3A_199 = tpu.vector_load_idx %arg6[%add3A_193] : memref<100000xf32, #tpu.memory_space<vmem>>[vector<16xi32>], vector<16xf32>,
        %add3A_200 = arith.constant 1 : i32
        %add3A_201 = vector.broadcast %add3A_200 : i32 to vector<16xi32>
        %add3A_202 = arith.addi %add3A_193, %add3A_201 : vector<16xi32>
        %gather3A_203 = tpu.vector_load_idx %arg6[%add3A_202] : memref<100000xf32, #tpu.memory_space<vmem>>[vector<16xi32>], vector<16xf32>,
        %sub3A_204 = arith.subf %gather3A_194, %gather3A_199 : vector<16xf32>
        %sub3A_205 = arith.subf %gather3A_198, %gather3A_203 : vector<16xf32>
        %mul3A_206 = arith.mulf %sub3A_204, %sub3A_204 : vector<16xf32>
        %mul3A_207 = arith.mulf %sub3A_205, %sub3A_205 : vector<16xf32>
        %add3A_208 = arith.addf %mul3A_206, %mul3A_207 : vector<16xf32>
        %max3A_209 = arith.constant 1.000000e-30 : f32
        %max3A_210 = vector.broadcast %max3A_209 : f32 to vector<16xf32>
        %max3A_211 = arith.maximumf %add3A_208, %max3A_210 : vector<16xf32>
        %bitcast3A_212 = vector.bitcast %max3A_211 : vector<16xf32> to vector<16xi32>
        %shift_right_arithmetic3A_213 = arith.constant 1 : i32
        %shift_right_arithmetic3A_214 = vector.broadcast %shift_right_arithmetic3A_213 : i32 to vector<16xi32>
        %shift_right_arithmetic3A_215 = arith.shrsi %bitcast3A_212, %shift_right_arithmetic3A_214 : vector<16xi32>
        %sub3A_216 = arith.constant 1597463007 : i32
        %sub3A_217 = vector.broadcast %sub3A_216 : i32 to vector<16xi32>
        %sub3A_218 = arith.subi %sub3A_217, %shift_right_arithmetic3A_215 : vector<16xi32>
        %bitcast3A_219 = vector.bitcast %sub3A_218 : vector<16xi32> to vector<16xf32>
        %mul3A_220 = arith.constant 5.000000e-01 : f32
        %mul3A_221 = vector.broadcast %mul3A_220 : f32 to vector<16xf32>
        %mul3A_222 = arith.mulf %mul3A_221, %max3A_211 : vector<16xf32>
        %mul3A_223 = arith.mulf %mul3A_222, %bitcast3A_219 : vector<16xf32>
        %mul3A_224 = arith.mulf %mul3A_223, %bitcast3A_219 : vector<16xf32>
        %sub3A_225 = arith.constant 1.500000e+00 : f32
        %sub3A_226 = vector.broadcast %sub3A_225 : f32 to vector<16xf32>
        %sub3A_227 = arith.subf %sub3A_226, %mul3A_224 : vector<16xf32>
        %mul3A_228 = arith.mulf %bitcast3A_219, %sub3A_227 : vector<16xf32>
        %mul3A_229 = arith.mulf %mul3A_222, %mul3A_228 : vector<16xf32>
        %mul3A_230 = arith.mulf %mul3A_229, %mul3A_228 : vector<16xf32>
        %sub3A_231 = arith.constant 1.500000e+00 : f32
        %sub3A_232 = vector.broadcast %sub3A_231 : f32 to vector<16xf32>
        %sub3A_233 = arith.subf %sub3A_232, %mul3A_230 : vector<16xf32>
        %mul3A_234 = arith.mulf %mul3A_228, %sub3A_233 : vector<16xf32>
        %mul3A_235 = arith.mulf %max3A_211, %mul3A_234 : vector<16xf32>
        %sub3A_236 = arith.subf %mul3A_235, %get3A_191 : vector<16xf32>
        %div3A_237 = arith.divf %sub3A_236, %get3A_191 : vector<16xf32>
        %mul3A_238 = arith.mulf %div3A_237, %div3A_237 : vector<16xf32>
        %add3A_239 = arith.addf %scan3A_115, %mul3A_238 : vector<16xf32>
        %mul3A_240 = arith.constant 5 : i32
        %mul3A_241 = arith.muli %scan3A_113, %mul3A_240 : i32
        %add3A_242 = arith.constant 2 : i32
        %add3A_243 = arith.addi %mul3A_241, %add3A_242 : i32
        %mul3A_244 = arith.constant 16 : i32
        %mul3A_245 = arith.muli %add3A_243, %mul3A_244 : i32
        %get3A_246 = arith.index_cast %mul3A_245 : i32 to index
        %get3A_247 = tpu.vector_load %arg10[%get3A_246] {strides = array<i32>} : memref<2000xi32, #tpu.memory_space<vmem>>, vector<16xi32>,
        %mul3A_248 = arith.constant 16 : i32
        %mul3A_249 = arith.muli %add3A_243, %mul3A_248 : i32
        %get3A_250 = arith.index_cast %mul3A_249 : i32 to index
        %get3A_251 = tpu.vector_load %arg11[%get3A_250] {strides = array<i32>} : memref<2000xi32, #tpu.memory_space<vmem>>, vector<16xi32>,
        %mul3A_252 = arith.constant 16 : i32
        %mul3A_253 = arith.muli %add3A_243, %mul3A_252 : i32
        %get3A_254 = arith.index_cast %mul3A_253 : i32 to index
        %get3A_255 = tpu.vector_load %arg12[%get3A_254] {strides = array<i32>} : memref<2000xf32, #tpu.memory_space<vmem>>, vector<16xf32>,
        %add3A_256 = arith.addi %get3A_247, %get3A_247 : vector<16xi32>
        %add3A_257 = arith.addi %get3A_251, %get3A_251 : vector<16xi32>
        %gather3A_258 = tpu.vector_load_idx %arg6[%add3A_256] : memref<100000xf32, #tpu.memory_space<vmem>>[vector<16xi32>], vector<16xf32>,
        %add3A_259 = arith.constant 1 : i32
        %add3A_260 = vector.broadcast %add3A_259 : i32 to vector<16xi32>
        %add3A_261 = arith.addi %add3A_256, %add3A_260 : vector<16xi32>
        %gather3A_262 = tpu.vector_load_idx %arg6[%add3A_261] : memref<100000xf32, #tpu.memory_space<vmem>>[vector<16xi32>], vector<16xf32>,
        %gather3A_263 = tpu.vector_load_idx %arg6[%add3A_257] : memref<100000xf32, #tpu.memory_space<vmem>>[vector<16xi32>], vector<16xf32>,
        %add3A_264 = arith.constant 1 : i32
        %add3A_265 = vector.broadcast %add3A_264 : i32 to vector<16xi32>
        %add3A_266 = arith.addi %add3A_257, %add3A_265 : vector<16xi32>
        %gather3A_267 = tpu.vector_load_idx %arg6[%add3A_266] : memref<100000xf32, #tpu.memory_space<vmem>>[vector<16xi32>], vector<16xf32>,
        %sub3A_268 = arith.subf %gather3A_258, %gather3A_263 : vector<16xf32>
        %sub3A_269 = arith.subf %gather3A_262, %gather3A_267 : vector<16xf32>
        %mul3A_270 = arith.mulf %sub3A_268, %sub3A_268 : vector<16xf32>
        %mul3A_271 = arith.mulf %sub3A_269, %sub3A_269 : vector<16xf32>
        %add3A_272 = arith.addf %mul3A_270, %mul3A_271 : vector<16xf32>
        %max3A_273 = arith.constant 1.000000e-30 : f32
        %max3A_274 = vector.broadcast %max3A_273 : f32 to vector<16xf32>
        %max3A_275 = arith.maximumf %add3A_272, %max3A_274 : vector<16xf32>
        %bitcast3A_276 = vector.bitcast %max3A_275 : vector<16xf32> to vector<16xi32>
        %shift_right_arithmetic3A_277 = arith.constant 1 : i32
        %shift_right_arithmetic3A_278 = vector.broadcast %shift_right_arithmetic3A_277 : i32 to vector<16xi32>
        %shift_right_arithmetic3A_279 = arith.shrsi %bitcast3A_276, %shift_right_arithmetic3A_278 : vector<16xi32>
        %sub3A_280 = arith.constant 1597463007 : i32
        %sub3A_281 = vector.broadcast %sub3A_280 : i32 to vector<16xi32>
        %sub3A_282 = arith.subi %sub3A_281, %shift_right_arithmetic3A_279 : vector<16xi32>
        %bitcast3A_283 = vector.bitcast %sub3A_282 : vector<16xi32> to vector<16xf32>
        %mul3A_284 = arith.constant 5.000000e-01 : f32
        %mul3A_285 = vector.broadcast %mul3A_284 : f32 to vector<16xf32>
        %mul3A_286 = arith.mulf %mul3A_285, %max3A_275 : vector<16xf32>
        %mul3A_287 = arith.mulf %mul3A_286, %bitcast3A_283 : vector<16xf32>
        %mul3A_288 = arith.mulf %mul3A_287, %bitcast3A_283 : vector<16xf32>
        %sub3A_289 = arith.constant 1.500000e+00 : f32
        %sub3A_290 = vector.broadcast %sub3A_289 : f32 to vector<16xf32>
        %sub3A_291 = arith.subf %sub3A_290, %mul3A_288 : vector<16xf32>
        %mul3A_292 = arith.mulf %bitcast3A_283, %sub3A_291 : vector<16xf32>
        %mul3A_293 = arith.mulf %mul3A_286, %mul3A_292 : vector<16xf32>
        %mul3A_294 = arith.mulf %mul3A_293, %mul3A_292 : vector<16xf32>
        %sub3A_295 = arith.constant 1.500000e+00 : f32
        %sub3A_296 = vector.broadcast %sub3A_295 : f32 to vector<16xf32>
        %sub3A_297 = arith.subf %sub3A_296, %mul3A_294 : vector<16xf32>
        %mul3A_298 = arith.mulf %mul3A_292, %sub3A_297 : vector<16xf32>
        %mul3A_299 = arith.mulf %max3A_275, %mul3A_298 : vector<16xf32>
        %sub3A_300 = arith.subf %mul3A_299, %get3A_255 : vector<16xf32>
        %div3A_301 = arith.divf %sub3A_300, %get3A_255 : vector<16xf32>
        %mul3A_302 = arith.mulf %div3A_301, %div3A_301 : vector<16xf32>
        %add3A_303 = arith.addf %scan3A_116, %mul3A_302 : vector<16xf32>
        %mul3A_304 = arith.constant 5 : i32
        %mul3A_305 = arith.muli %scan3A_113, %mul3A_304 : i32
        %add3A_306 = arith.constant 3 : i32
        %add3A_307 = arith.addi %mul3A_305, %add3A_306 : i32
        %mul3A_308 = arith.constant 16 : i32
        %mul3A_309 = arith.muli %add3A_307, %mul3A_308 : i32
        %get3A_310 = arith.index_cast %mul3A_309 : i32 to index
        %get3A_311 = tpu.vector_load %arg10[%get3A_310] {strides = array<i32>} : memref<2000xi32, #tpu.memory_space<vmem>>, vector<16xi32>,
        %mul3A_312 = arith.constant 16 : i32
        %mul3A_313 = arith.muli %add3A_307, %mul3A_312 : i32
        %get3A_314 = arith.index_cast %mul3A_313 : i32 to index
        %get3A_315 = tpu.vector_load %arg11[%get3A_314] {strides = array<i32>} : memref<2000xi32, #tpu.memory_space<vmem>>, vector<16xi32>,
        %mul3A_316 = arith.constant 16 : i32
        %mul3A_317 = arith.muli %add3A_307, %mul3A_316 : i32
        %get3A_318 = arith.index_cast %mul3A_317 : i32 to index
        %get3A_319 = tpu.vector_load %arg12[%get3A_318] {strides = array<i32>} : memref<2000xf32, #tpu.memory_space<vmem>>, vector<16xf32>,
        %add3A_320 = arith.addi %get3A_311, %get3A_311 : vector<16xi32>
        %add3A_321 = arith.addi %get3A_315, %get3A_315 : vector<16xi32>
        %gather3A_322 = tpu.vector_load_idx %arg6[%add3A_320] : memref<100000xf32, #tpu.memory_space<vmem>>[vector<16xi32>], vector<16xf32>,
        %add3A_323 = arith.constant 1 : i32
        %add3A_324 = vector.broadcast %add3A_323 : i32 to vector<16xi32>
        %add3A_325 = arith.addi %add3A_320, %add3A_324 : vector<16xi32>
        %gather3A_326 = tpu.vector_load_idx %arg6[%add3A_325] : memref<100000xf32, #tpu.memory_space<vmem>>[vector<16xi32>], vector<16xf32>,
        %gather3A_327 = tpu.vector_load_idx %arg6[%add3A_321] : memref<100000xf32, #tpu.memory_space<vmem>>[vector<16xi32>], vector<16xf32>,
        %add3A_328 = arith.constant 1 : i32
        %add3A_329 = vector.broadcast %add3A_328 : i32 to vector<16xi32>
        %add3A_330 = arith.addi %add3A_321, %add3A_329 : vector<16xi32>
        %gather3A_331 = tpu.vector_load_idx %arg6[%add3A_330] : memref<100000xf32, #tpu.memory_space<vmem>>[vector<16xi32>], vector<16xf32>,
        %sub3A_332 = arith.subf %gather3A_322, %gather3A_327 : vector<16xf32>
        %sub3A_333 = arith.subf %gather3A_326, %gather3A_331 : vector<16xf32>
        %mul3A_334 = arith.mulf %sub3A_332, %sub3A_332 : vector<16xf32>
        %mul3A_335 = arith.mulf %sub3A_333, %sub3A_333 : vector<16xf32>
        %add3A_336 = arith.addf %mul3A_334, %mul3A_335 : vector<16xf32>
        %max3A_337 = arith.constant 1.000000e-30 : f32
        %max3A_338 = vector.broadcast %max3A_337 : f32 to vector<16xf32>
        %max3A_339 = arith.maximumf %add3A_336, %max3A_338 : vector<16xf32>
        %bitcast3A_340 = vector.bitcast %max3A_339 : vector<16xf32> to vector<16xi32>
        %shift_right_arithmetic3A_341 = arith.constant 1 : i32
        %shift_right_arithmetic3A_342 = vector.broadcast %shift_right_arithmetic3A_341 : i32 to vector<16xi32>
        %shift_right_arithmetic3A_343 = arith.shrsi %bitcast3A_340, %shift_right_arithmetic3A_342 : vector<16xi32>
        %sub3A_344 = arith.constant 1597463007 : i32
        %sub3A_345 = vector.broadcast %sub3A_344 : i32 to vector<16xi32>
        %sub3A_346 = arith.subi %sub3A_345, %shift_right_arithmetic3A_343 : vector<16xi32>
        %bitcast3A_347 = vector.bitcast %sub3A_346 : vector<16xi32> to vector<16xf32>
        %mul3A_348 = arith.constant 5.000000e-01 : f32
        %mul3A_349 = vector.broadcast %mul3A_348 : f32 to vector<16xf32>
        %mul3A_350 = arith.mulf %mul3A_349, %max3A_339 : vector<16xf32>
        %mul3A_351 = arith.mulf %mul3A_350, %bitcast3A_347 : vector<16xf32>
        %mul3A_352 = arith.mulf %mul3A_351, %bitcast3A_347 : vector<16xf32>
        %sub3A_353 = arith.constant 1.500000e+00 : f32
        %sub3A_354 = vector.broadcast %sub3A_353 : f32 to vector<16xf32>
        %sub3A_355 = arith.subf %sub3A_354, %mul3A_352 : vector<16xf32>
        %mul3A_356 = arith.mulf %bitcast3A_347, %sub3A_355 : vector<16xf32>
        %mul3A_357 = arith.mulf %mul3A_350, %mul3A_356 : vector<16xf32>
        %mul3A_358 = arith.mulf %mul3A_357, %mul3A_356 : vector<16xf32>
        %sub3A_359 = arith.constant 1.500000e+00 : f32
        %sub3A_360 = vector.broadcast %sub3A_359 : f32 to vector<16xf32>
        %sub3A_361 = arith.subf %sub3A_360, %mul3A_358 : vector<16xf32>
        %mul3A_362 = arith.mulf %mul3A_356, %sub3A_361 : vector<16xf32>
        %mul3A_363 = arith.mulf %max3A_339, %mul3A_362 : vector<16xf32>
        %sub3A_364 = arith.subf %mul3A_363, %get3A_319 : vector<16xf32>
        %div3A_365 = arith.divf %sub3A_364, %get3A_319 : vector<16xf32>
        %mul3A_366 = arith.mulf %div3A_365, %div3A_365 : vector<16xf32>
        %add3A_367 = arith.addf %scan3A_117, %mul3A_366 : vector<16xf32>
        %mul3A_368 = arith.constant 5 : i32
        %mul3A_369 = arith.muli %scan3A_113, %mul3A_368 : i32
        %add3A_370 = arith.constant 4 : i32
        %add3A_371 = arith.addi %mul3A_369, %add3A_370 : i32
        %mul3A_372 = arith.constant 16 : i32
        %mul3A_373 = arith.muli %add3A_371, %mul3A_372 : i32
        %get3A_374 = arith.index_cast %mul3A_373 : i32 to index
        %get3A_375 = tpu.vector_load %arg10[%get3A_374] {strides = array<i32>} : memref<2000xi32, #tpu.memory_space<vmem>>, vector<16xi32>,
        %mul3A_376 = arith.constant 16 : i32
        %mul3A_377 = arith.muli %add3A_371, %mul3A_376 : i32
        %get3A_378 = arith.index_cast %mul3A_377 : i32 to index
        %get3A_379 = tpu.vector_load %arg11[%get3A_378] {strides = array<i32>} : memref<2000xi32, #tpu.memory_space<vmem>>, vector<16xi32>,
        %mul3A_380 = arith.constant 16 : i32
        %mul3A_381 = arith.muli %add3A_371, %mul3A_380 : i32
        %get3A_382 = arith.index_cast %mul3A_381 : i32 to index
        %get3A_383 = tpu.vector_load %arg12[%get3A_382] {strides = array<i32>} : memref<2000xf32, #tpu.memory_space<vmem>>, vector<16xf32>,
        %add3A_384 = arith.addi %get3A_375, %get3A_375 : vector<16xi32>
        %add3A_385 = arith.addi %get3A_379, %get3A_379 : vector<16xi32>
        %gather3A_386 = tpu.vector_load_idx %arg6[%add3A_384] : memref<100000xf32, #tpu.memory_space<vmem>>[vector<16xi32>], vector<16xf32>,
        %add3A_387 = arith.constant 1 : i32
        %add3A_388 = vector.broadcast %add3A_387 : i32 to vector<16xi32>
        %add3A_389 = arith.addi %add3A_384, %add3A_388 : vector<16xi32>
        %gather3A_390 = tpu.vector_load_idx %arg6[%add3A_389] : memref<100000xf32, #tpu.memory_space<vmem>>[vector<16xi32>], vector<16xf32>,
        %gather3A_391 = tpu.vector_load_idx %arg6[%add3A_385] : memref<100000xf32, #tpu.memory_space<vmem>>[vector<16xi32>], vector<16xf32>,
        %add3A_392 = arith.constant 1 : i32
        %add3A_393 = vector.broadcast %add3A_392 : i32 to vector<16xi32>
        %add3A_394 = arith.addi %add3A_385, %add3A_393 : vector<16xi32>
        %gather3A_395 = tpu.vector_load_idx %arg6[%add3A_394] : memref<100000xf32, #tpu.memory_space<vmem>>[vector<16xi32>], vector<16xf32>,
        %sub3A_396 = arith.subf %gather3A_386, %gather3A_391 : vector<16xf32>
        %sub3A_397 = arith.subf %gather3A_390, %gather3A_395 : vector<16xf32>
        %mul3A_398 = arith.mulf %sub3A_396, %sub3A_396 : vector<16xf32>
        %mul3A_399 = arith.mulf %sub3A_397, %sub3A_397 : vector<16xf32>
        %add3A_400 = arith.addf %mul3A_398, %mul3A_399 : vector<16xf32>
        %max3A_401 = arith.constant 1.000000e-30 : f32
        %max3A_402 = vector.broadcast %max3A_401 : f32 to vector<16xf32>
        %max3A_403 = arith.maximumf %add3A_400, %max3A_402 : vector<16xf32>
        %bitcast3A_404 = vector.bitcast %max3A_403 : vector<16xf32> to vector<16xi32>
        %shift_right_arithmetic3A_405 = arith.constant 1 : i32
        %shift_right_arithmetic3A_406 = vector.broadcast %shift_right_arithmetic3A_405 : i32 to vector<16xi32>
        %shift_right_arithmetic3A_407 = arith.shrsi %bitcast3A_404, %shift_right_arithmetic3A_406 : vector<16xi32>
        %sub3A_408 = arith.constant 1597463007 : i32
        %sub3A_409 = vector.broadcast %sub3A_408 : i32 to vector<16xi32>
        %sub3A_410 = arith.subi %sub3A_409, %shift_right_arithmetic3A_407 : vector<16xi32>
        %bitcast3A_411 = vector.bitcast %sub3A_410 : vector<16xi32> to vector<16xf32>
        %mul3A_412 = arith.constant 5.000000e-01 : f32
        %mul3A_413 = vector.broadcast %mul3A_412 : f32 to vector<16xf32>
        %mul3A_414 = arith.mulf %mul3A_413, %max3A_403 : vector<16xf32>
        %mul3A_415 = arith.mulf %mul3A_414, %bitcast3A_411 : vector<16xf32>
        %mul3A_416 = arith.mulf %mul3A_415, %bitcast3A_411 : vector<16xf32>
        %sub3A_417 = arith.constant 1.500000e+00 : f32
        %sub3A_418 = vector.broadcast %sub3A_417 : f32 to vector<16xf32>
        %sub3A_419 = arith.subf %sub3A_418, %mul3A_416 : vector<16xf32>
        %mul3A_420 = arith.mulf %bitcast3A_411, %sub3A_419 : vector<16xf32>
        %mul3A_421 = arith.mulf %mul3A_414, %mul3A_420 : vector<16xf32>
        %mul3A_422 = arith.mulf %mul3A_421, %mul3A_420 : vector<16xf32>
        %sub3A_423 = arith.constant 1.500000e+00 : f32
        %sub3A_424 = vector.broadcast %sub3A_423 : f32 to vector<16xf32>
        %sub3A_425 = arith.subf %sub3A_424, %mul3A_422 : vector<16xf32>
        %mul3A_426 = arith.mulf %mul3A_420, %sub3A_425 : vector<16xf32>
        %mul3A_427 = arith.mulf %max3A_403, %mul3A_426 : vector<16xf32>
        %sub3A_428 = arith.subf %mul3A_427, %get3A_383 : vector<16xf32>
        %div3A_429 = arith.divf %sub3A_428, %get3A_383 : vector<16xf32>
        %mul3A_430 = arith.mulf %div3A_429, %div3A_429 : vector<16xf32>
        %add3A_431 = arith.addf %scan3A_118, %mul3A_430 : vector<16xf32>
        scf.yield %add3A_175, %add3A_239, %add3A_303, %add3A_367, %add3A_431 : vector<16xf32>, vector<16xf32>, vector<16xf32>, vector<16xf32>, vector<16xf32>
      }
      %scan3A_112 = arith.constant 25 : i32
      scf.yield %scan3A_111#0, %scan3A_111#1, %scan3A_111#2, %scan3A_111#3, %scan3A_111#4 : vector<16xf32>, vector<16xf32>, vector<16xf32>, vector<16xf32>, vector<16xf32>
    }
    %scan3A_17 = arith.constant 12 : i32
    %dma_wait3A = arith.constant 0 : i32
    %dma_wait3A_18 = tpu.memref_slice %arg3[%dma_wait3A] : memref<3200000xi32, #tpu.memory_space<hbm>> -> memref<2000xi32, #tpu.memory_space<hbm>>
    %dma_wait3A_19 = arith.constant 0 : i32
    %dma_wait3A_20 = tpu.memref_slice %arg3[%dma_wait3A_19] : memref<3200000xi32, #tpu.memory_space<hbm>> -> memref<2000xi32, #tpu.memory_space<hbm>>
    tpu.wait_dma2 semaphore(%arg15 : memref<!tpu.dma_semaphore, #tpu.memory_space<semaphore_mem>>) src(%dma_wait3A_20 : memref<2000xi32, #tpu.memory_space<hbm>>) dst(%arg7 : memref<2000xi32, #tpu.memory_space<vmem>>)
    %dma_wait3A_21 = arith.constant 0 : i32
    %dma_wait3A_22 = tpu.memref_slice %arg3[%dma_wait3A_21] : memref<3200000xi32, #tpu.memory_space<hbm>> -> memref<2000xi32, #tpu.memory_space<hbm>>
    %dma_wait3A_23 = arith.constant 0 : i32
    %dma_wait3A_24 = tpu.memref_slice %arg3[%dma_wait3A_23] : memref<3200000xi32, #tpu.memory_space<hbm>> -> memref<2000xi32, #tpu.memory_space<hbm>>
    tpu.wait_dma2 semaphore(%arg15 : memref<!tpu.dma_semaphore, #tpu.memory_space<semaphore_mem>>) src(%dma_wait3A_24 : memref<2000xi32, #tpu.memory_space<hbm>>) dst(%arg8 : memref<2000xi32, #tpu.memory_space<vmem>>)
    %dma_wait3A_25 = arith.constant 0 : i32
    %dma_wait3A_26 = tpu.memref_slice %arg4[%dma_wait3A_25] : memref<1600000xf32, #tpu.memory_space<hbm>> -> memref<2000xf32, #tpu.memory_space<hbm>>
    %dma_wait3A_27 = arith.constant 0 : i32
    %dma_wait3A_28 = tpu.memref_slice %arg4[%dma_wait3A_27] : memref<1600000xf32, #tpu.memory_space<hbm>> -> memref<2000xf32, #tpu.memory_space<hbm>>
    tpu.wait_dma2 semaphore(%arg15 : memref<!tpu.dma_semaphore, #tpu.memory_space<semaphore_mem>>) src(%dma_wait3A_28 : memref<2000xf32, #tpu.memory_space<hbm>>) dst(%arg9 : memref<2000xf32, #tpu.memory_space<vmem>>)
    %scan3A_29 = arith.constant 0 : i32
    %scan3A_30 = arith.constant 25 : i32
    %scan3A_31 = arith.addi %scan3A_29, %scan3A_30 : i32
    %scan3A_32 = arith.constant 1 : i32
    %scan3A_33:5 = scf.for %scan3A_43 = %scan3A_29 to %scan3A_31 step %scan3A_32 iter_args(%scan3A_44 = %scan3A_16#0, %scan3A_45 = %scan3A_16#1, %scan3A_46 = %scan3A_16#2, %scan3A_47 = %scan3A_16#3, %scan3A_48 = %scan3A_16#4) -> (vector<16xf32>, vector<16xf32>, vector<16xf32>, vector<16xf32>, vector<16xf32>)  : i32 {
      %mul3A_49 = arith.constant 5 : i32
      %mul3A_50 = arith.muli %scan3A_43, %mul3A_49 : i32
      %add3A_51 = arith.constant 0 : i32
      %add3A_52 = arith.addi %mul3A_50, %add3A_51 : i32
      %mul3A_53 = arith.constant 16 : i32
      %mul3A_54 = arith.muli %add3A_52, %mul3A_53 : i32
      %get3A = arith.index_cast %mul3A_54 : i32 to index
      %get3A_55 = tpu.vector_load %arg7[%get3A] {strides = array<i32>} : memref<2000xi32, #tpu.memory_space<vmem>>, vector<16xi32>,
      %mul3A_56 = arith.constant 16 : i32
      %mul3A_57 = arith.muli %add3A_52, %mul3A_56 : i32
      %get3A_58 = arith.index_cast %mul3A_57 : i32 to index
      %get3A_59 = tpu.vector_load %arg8[%get3A_58] {strides = array<i32>} : memref<2000xi32, #tpu.memory_space<vmem>>, vector<16xi32>,
      %mul3A_60 = arith.constant 16 : i32
      %mul3A_61 = arith.muli %add3A_52, %mul3A_60 : i32
      %get3A_62 = arith.index_cast %mul3A_61 : i32 to index
      %get3A_63 = tpu.vector_load %arg9[%get3A_62] {strides = array<i32>} : memref<2000xf32, #tpu.memory_space<vmem>>, vector<16xf32>,
      %add3A_64 = arith.addi %get3A_55, %get3A_55 : vector<16xi32>
      %add3A_65 = arith.addi %get3A_59, %get3A_59 : vector<16xi32>
      %gather3A = tpu.vector_load_idx %arg6[%add3A_64] : memref<100000xf32, #tpu.memory_space<vmem>>[vector<16xi32>], vector<16xf32>,
      %add3A_66 = arith.constant 1 : i32
      %add3A_67 = vector.broadcast %add3A_66 : i32 to vector<16xi32>
      %add3A_68 = arith.addi %add3A_64, %add3A_67 : vector<16xi32>
      %gather3A_69 = tpu.vector_load_idx %arg6[%add3A_68] : memref<100000xf32, #tpu.memory_space<vmem>>[vector<16xi32>], vector<16xf32>,
      %gather3A_70 = tpu.vector_load_idx %arg6[%add3A_65] : memref<100000xf32, #tpu.memory_space<vmem>>[vector<16xi32>], vector<16xf32>,
      %add3A_71 = arith.constant 1 : i32
      %add3A_72 = vector.broadcast %add3A_71 : i32 to vector<16xi32>
      %add3A_73 = arith.addi %add3A_65, %add3A_72 : vector<16xi32>
      %gather3A_74 = tpu.vector_load_idx %arg6[%add3A_73] : memref<100000xf32, #tpu.memory_space<vmem>>[vector<16xi32>], vector<16xf32>,
      %sub3A = arith.subf %gather3A, %gather3A_70 : vector<16xf32>
      %sub3A_75 = arith.subf %gather3A_69, %gather3A_74 : vector<16xf32>
      %mul3A_76 = arith.mulf %sub3A, %sub3A : vector<16xf32>
      %mul3A_77 = arith.mulf %sub3A_75, %sub3A_75 : vector<16xf32>
      %add3A_78 = arith.addf %mul3A_76, %mul3A_77 : vector<16xf32>
      %max3A = arith.constant 1.000000e-30 : f32
      %max3A_79 = vector.broadcast %max3A : f32 to vector<16xf32>
      %max3A_80 = arith.maximumf %add3A_78, %max3A_79 : vector<16xf32>
      %bitcast3A = vector.bitcast %max3A_80 : vector<16xf32> to vector<16xi32>
      %shift_right_arithmetic3A = arith.constant 1 : i32
      %shift_right_arithmetic3A_81 = vector.broadcast %shift_right_arithmetic3A : i32 to vector<16xi32>
      %shift_right_arithmetic3A_82 = arith.shrsi %bitcast3A, %shift_right_arithmetic3A_81 : vector<16xi32>
      %sub3A_83 = arith.constant 1597463007 : i32
      %sub3A_84 = vector.broadcast %sub3A_83 : i32 to vector<16xi32>
      %sub3A_85 = arith.subi %sub3A_84, %shift_right_arithmetic3A_82 : vector<16xi32>
      %bitcast3A_86 = vector.bitcast %sub3A_85 : vector<16xi32> to vector<16xf32>
      %mul3A_87 = arith.constant 5.000000e-01 : f32
      %mul3A_88 = vector.broadcast %mul3A_87 : f32 to vector<16xf32>
      %mul3A_89 = arith.mulf %mul3A_88, %max3A_80 : vector<16xf32>
      %mul3A_90 = arith.mulf %mul3A_89, %bitcast3A_86 : vector<16xf32>
      %mul3A_91 = arith.mulf %mul3A_90, %bitcast3A_86 : vector<16xf32>
      %sub3A_92 = arith.constant 1.500000e+00 : f32
      %sub3A_93 = vector.broadcast %sub3A_92 : f32 to vector<16xf32>
      %sub3A_94 = arith.subf %sub3A_93, %mul3A_91 : vector<16xf32>
      %mul3A_95 = arith.mulf %bitcast3A_86, %sub3A_94 : vector<16xf32>
      %mul3A_96 = arith.mulf %mul3A_89, %mul3A_95 : vector<16xf32>
      %mul3A_97 = arith.mulf %mul3A_96, %mul3A_95 : vector<16xf32>
      %sub3A_98 = arith.constant 1.500000e+00 : f32
      %sub3A_99 = vector.broadcast %sub3A_98 : f32 to vector<16xf32>
      %sub3A_100 = arith.subf %sub3A_99, %mul3A_97 : vector<16xf32>
      %mul3A_101 = arith.mulf %mul3A_95, %sub3A_100 : vector<16xf32>
      %mul3A_102 = arith.mulf %max3A_80, %mul3A_101 : vector<16xf32>
      %sub3A_103 = arith.subf %mul3A_102, %get3A_63 : vector<16xf32>
      %div3A = arith.divf %sub3A_103, %get3A_63 : vector<16xf32>
      %mul3A_104 = arith.mulf %div3A, %div3A : vector<16xf32>
      %add3A_105 = arith.addf %scan3A_44, %mul3A_104 : vector<16xf32>
      %mul3A_106 = arith.constant 5 : i32
      %mul3A_107 = arith.muli %scan3A_43, %mul3A_106 : i32
      %add3A_108 = arith.constant 1 : i32
      %add3A_109 = arith.addi %mul3A_107, %add3A_108 : i32
      %mul3A_110 = arith.constant 16 : i32
      %mul3A_111 = arith.muli %add3A_109, %mul3A_110 : i32
      %get3A_112 = arith.index_cast %mul3A_111 : i32 to index
      %get3A_113 = tpu.vector_load %arg7[%get3A_112] {strides = array<i32>} : memref<2000xi32, #tpu.memory_space<vmem>>, vector<16xi32>,
      %mul3A_114 = arith.constant 16 : i32
      %mul3A_115 = arith.muli %add3A_109, %mul3A_114 : i32
      %get3A_116 = arith.index_cast %mul3A_115 : i32 to index
      %get3A_117 = tpu.vector_load %arg8[%get3A_116] {strides = array<i32>} : memref<2000xi32, #tpu.memory_space<vmem>>, vector<16xi32>,
      %mul3A_118 = arith.constant 16 : i32
      %mul3A_119 = arith.muli %add3A_109, %mul3A_118 : i32
      %get3A_120 = arith.index_cast %mul3A_119 : i32 to index
      %get3A_121 = tpu.vector_load %arg9[%get3A_120] {strides = array<i32>} : memref<2000xf32, #tpu.memory_space<vmem>>, vector<16xf32>,
      %add3A_122 = arith.addi %get3A_113, %get3A_113 : vector<16xi32>
      %add3A_123 = arith.addi %get3A_117, %get3A_117 : vector<16xi32>
      %gather3A_124 = tpu.vector_load_idx %arg6[%add3A_122] : memref<100000xf32, #tpu.memory_space<vmem>>[vector<16xi32>], vector<16xf32>,
      %add3A_125 = arith.constant 1 : i32
      %add3A_126 = vector.broadcast %add3A_125 : i32 to vector<16xi32>
      %add3A_127 = arith.addi %add3A_122, %add3A_126 : vector<16xi32>
      %gather3A_128 = tpu.vector_load_idx %arg6[%add3A_127] : memref<100000xf32, #tpu.memory_space<vmem>>[vector<16xi32>], vector<16xf32>,
      %gather3A_129 = tpu.vector_load_idx %arg6[%add3A_123] : memref<100000xf32, #tpu.memory_space<vmem>>[vector<16xi32>], vector<16xf32>,
      %add3A_130 = arith.constant 1 : i32
      %add3A_131 = vector.broadcast %add3A_130 : i32 to vector<16xi32>
      %add3A_132 = arith.addi %add3A_123, %add3A_131 : vector<16xi32>
      %gather3A_133 = tpu.vector_load_idx %arg6[%add3A_132] : memref<100000xf32, #tpu.memory_space<vmem>>[vector<16xi32>], vector<16xf32>,
      %sub3A_134 = arith.subf %gather3A_124, %gather3A_129 : vector<16xf32>
      %sub3A_135 = arith.subf %gather3A_128, %gather3A_133 : vector<16xf32>
      %mul3A_136 = arith.mulf %sub3A_134, %sub3A_134 : vector<16xf32>
      %mul3A_137 = arith.mulf %sub3A_135, %sub3A_135 : vector<16xf32>
      %add3A_138 = arith.addf %mul3A_136, %mul3A_137 : vector<16xf32>
      %max3A_139 = arith.constant 1.000000e-30 : f32
      %max3A_140 = vector.broadcast %max3A_139 : f32 to vector<16xf32>
      %max3A_141 = arith.maximumf %add3A_138, %max3A_140 : vector<16xf32>
      %bitcast3A_142 = vector.bitcast %max3A_141 : vector<16xf32> to vector<16xi32>
      %shift_right_arithmetic3A_143 = arith.constant 1 : i32
      %shift_right_arithmetic3A_144 = vector.broadcast %shift_right_arithmetic3A_143 : i32 to vector<16xi32>
      %shift_right_arithmetic3A_145 = arith.shrsi %bitcast3A_142, %shift_right_arithmetic3A_144 : vector<16xi32>
      %sub3A_146 = arith.constant 1597463007 : i32
      %sub3A_147 = vector.broadcast %sub3A_146 : i32 to vector<16xi32>
      %sub3A_148 = arith.subi %sub3A_147, %shift_right_arithmetic3A_145 : vector<16xi32>
      %bitcast3A_149 = vector.bitcast %sub3A_148 : vector<16xi32> to vector<16xf32>
      %mul3A_150 = arith.constant 5.000000e-01 : f32
      %mul3A_151 = vector.broadcast %mul3A_150 : f32 to vector<16xf32>
      %mul3A_152 = arith.mulf %mul3A_151, %max3A_141 : vector<16xf32>
      %mul3A_153 = arith.mulf %mul3A_152, %bitcast3A_149 : vector<16xf32>
      %mul3A_154 = arith.mulf %mul3A_153, %bitcast3A_149 : vector<16xf32>
      %sub3A_155 = arith.constant 1.500000e+00 : f32
      %sub3A_156 = vector.broadcast %sub3A_155 : f32 to vector<16xf32>
      %sub3A_157 = arith.subf %sub3A_156, %mul3A_154 : vector<16xf32>
      %mul3A_158 = arith.mulf %bitcast3A_149, %sub3A_157 : vector<16xf32>
      %mul3A_159 = arith.mulf %mul3A_152, %mul3A_158 : vector<16xf32>
      %mul3A_160 = arith.mulf %mul3A_159, %mul3A_158 : vector<16xf32>
      %sub3A_161 = arith.constant 1.500000e+00 : f32
      %sub3A_162 = vector.broadcast %sub3A_161 : f32 to vector<16xf32>
      %sub3A_163 = arith.subf %sub3A_162, %mul3A_160 : vector<16xf32>
      %mul3A_164 = arith.mulf %mul3A_158, %sub3A_163 : vector<16xf32>
      %mul3A_165 = arith.mulf %max3A_141, %mul3A_164 : vector<16xf32>
      %sub3A_166 = arith.subf %mul3A_165, %get3A_121 : vector<16xf32>
      %div3A_167 = arith.divf %sub3A_166, %get3A_121 : vector<16xf32>
      %mul3A_168 = arith.mulf %div3A_167, %div3A_167 : vector<16xf32>
      %add3A_169 = arith.addf %scan3A_45, %mul3A_168 : vector<16xf32>
      %mul3A_170 = arith.constant 5 : i32
      %mul3A_171 = arith.muli %scan3A_43, %mul3A_170 : i32
      %add3A_172 = arith.constant 2 : i32
      %add3A_173 = arith.addi %mul3A_171, %add3A_172 : i32
      %mul3A_174 = arith.constant 16 : i32
      %mul3A_175 = arith.muli %add3A_173, %mul3A_174 : i32
      %get3A_176 = arith.index_cast %mul3A_175 : i32 to index
      %get3A_177 = tpu.vector_load %arg7[%get3A_176] {strides = array<i32>} : memref<2000xi32, #tpu.memory_space<vmem>>, vector<16xi32>,
      %mul3A_178 = arith.constant 16 : i32
      %mul3A_179 = arith.muli %add3A_173, %mul3A_178 : i32
      %get3A_180 = arith.index_cast %mul3A_179 : i32 to index
      %get3A_181 = tpu.vector_load %arg8[%get3A_180] {strides = array<i32>} : memref<2000xi32, #tpu.memory_space<vmem>>, vector<16xi32>,
      %mul3A_182 = arith.constant 16 : i32
      %mul3A_183 = arith.muli %add3A_173, %mul3A_182 : i32
      %get3A_184 = arith.index_cast %mul3A_183 : i32 to index
      %get3A_185 = tpu.vector_load %arg9[%get3A_184] {strides = array<i32>} : memref<2000xf32, #tpu.memory_space<vmem>>, vector<16xf32>,
      %add3A_186 = arith.addi %get3A_177, %get3A_177 : vector<16xi32>
      %add3A_187 = arith.addi %get3A_181, %get3A_181 : vector<16xi32>
      %gather3A_188 = tpu.vector_load_idx %arg6[%add3A_186] : memref<100000xf32, #tpu.memory_space<vmem>>[vector<16xi32>], vector<16xf32>,
      %add3A_189 = arith.constant 1 : i32
      %add3A_190 = vector.broadcast %add3A_189 : i32 to vector<16xi32>
      %add3A_191 = arith.addi %add3A_186, %add3A_190 : vector<16xi32>
      %gather3A_192 = tpu.vector_load_idx %arg6[%add3A_191] : memref<100000xf32, #tpu.memory_space<vmem>>[vector<16xi32>], vector<16xf32>,
      %gather3A_193 = tpu.vector_load_idx %arg6[%add3A_187] : memref<100000xf32, #tpu.memory_space<vmem>>[vector<16xi32>], vector<16xf32>,
      %add3A_194 = arith.constant 1 : i32
      %add3A_195 = vector.broadcast %add3A_194 : i32 to vector<16xi32>
      %add3A_196 = arith.addi %add3A_187, %add3A_195 : vector<16xi32>
      %gather3A_197 = tpu.vector_load_idx %arg6[%add3A_196] : memref<100000xf32, #tpu.memory_space<vmem>>[vector<16xi32>], vector<16xf32>,
      %sub3A_198 = arith.subf %gather3A_188, %gather3A_193 : vector<16xf32>
      %sub3A_199 = arith.subf %gather3A_192, %gather3A_197 : vector<16xf32>
      %mul3A_200 = arith.mulf %sub3A_198, %sub3A_198 : vector<16xf32>
      %mul3A_201 = arith.mulf %sub3A_199, %sub3A_199 : vector<16xf32>
      %add3A_202 = arith.addf %mul3A_200, %mul3A_201 : vector<16xf32>
      %max3A_203 = arith.constant 1.000000e-30 : f32
      %max3A_204 = vector.broadcast %max3A_203 : f32 to vector<16xf32>
      %max3A_205 = arith.maximumf %add3A_202, %max3A_204 : vector<16xf32>
      %bitcast3A_206 = vector.bitcast %max3A_205 : vector<16xf32> to vector<16xi32>
      %shift_right_arithmetic3A_207 = arith.constant 1 : i32
      %shift_right_arithmetic3A_208 = vector.broadcast %shift_right_arithmetic3A_207 : i32 to vector<16xi32>
      %shift_right_arithmetic3A_209 = arith.shrsi %bitcast3A_206, %shift_right_arithmetic3A_208 : vector<16xi32>
      %sub3A_210 = arith.constant 1597463007 : i32
      %sub3A_211 = vector.broadcast %sub3A_210 : i32 to vector<16xi32>
      %sub3A_212 = arith.subi %sub3A_211, %shift_right_arithmetic3A_209 : vector<16xi32>
      %bitcast3A_213 = vector.bitcast %sub3A_212 : vector<16xi32> to vector<16xf32>
      %mul3A_214 = arith.constant 5.000000e-01 : f32
      %mul3A_215 = vector.broadcast %mul3A_214 : f32 to vector<16xf32>
      %mul3A_216 = arith.mulf %mul3A_215, %max3A_205 : vector<16xf32>
      %mul3A_217 = arith.mulf %mul3A_216, %bitcast3A_213 : vector<16xf32>
      %mul3A_218 = arith.mulf %mul3A_217, %bitcast3A_213 : vector<16xf32>
      %sub3A_219 = arith.constant 1.500000e+00 : f32
      %sub3A_220 = vector.broadcast %sub3A_219 : f32 to vector<16xf32>
      %sub3A_221 = arith.subf %sub3A_220, %mul3A_218 : vector<16xf32>
      %mul3A_222 = arith.mulf %bitcast3A_213, %sub3A_221 : vector<16xf32>
      %mul3A_223 = arith.mulf %mul3A_216, %mul3A_222 : vector<16xf32>
      %mul3A_224 = arith.mulf %mul3A_223, %mul3A_222 : vector<16xf32>
      %sub3A_225 = arith.constant 1.500000e+00 : f32
      %sub3A_226 = vector.broadcast %sub3A_225 : f32 to vector<16xf32>
      %sub3A_227 = arith.subf %sub3A_226, %mul3A_224 : vector<16xf32>
      %mul3A_228 = arith.mulf %mul3A_222, %sub3A_227 : vector<16xf32>
      %mul3A_229 = arith.mulf %max3A_205, %mul3A_228 : vector<16xf32>
      %sub3A_230 = arith.subf %mul3A_229, %get3A_185 : vector<16xf32>
      %div3A_231 = arith.divf %sub3A_230, %get3A_185 : vector<16xf32>
      %mul3A_232 = arith.mulf %div3A_231, %div3A_231 : vector<16xf32>
      %add3A_233 = arith.addf %scan3A_46, %mul3A_232 : vector<16xf32>
      %mul3A_234 = arith.constant 5 : i32
      %mul3A_235 = arith.muli %scan3A_43, %mul3A_234 : i32
      %add3A_236 = arith.constant 3 : i32
      %add3A_237 = arith.addi %mul3A_235, %add3A_236 : i32
      %mul3A_238 = arith.constant 16 : i32
      %mul3A_239 = arith.muli %add3A_237, %mul3A_238 : i32
      %get3A_240 = arith.index_cast %mul3A_239 : i32 to index
      %get3A_241 = tpu.vector_load %arg7[%get3A_240] {strides = array<i32>} : memref<2000xi32, #tpu.memory_space<vmem>>, vector<16xi32>,
      %mul3A_242 = arith.constant 16 : i32
      %mul3A_243 = arith.muli %add3A_237, %mul3A_242 : i32
      %get3A_244 = arith.index_cast %mul3A_243 : i32 to index
      %get3A_245 = tpu.vector_load %arg8[%get3A_244] {strides = array<i32>} : memref<2000xi32, #tpu.memory_space<vmem>>, vector<16xi32>,
      %mul3A_246 = arith.constant 16 : i32
      %mul3A_247 = arith.muli %add3A_237, %mul3A_246 : i32
      %get3A_248 = arith.index_cast %mul3A_247 : i32 to index
      %get3A_249 = tpu.vector_load %arg9[%get3A_248] {strides = array<i32>} : memref<2000xf32, #tpu.memory_space<vmem>>, vector<16xf32>,
      %add3A_250 = arith.addi %get3A_241, %get3A_241 : vector<16xi32>
      %add3A_251 = arith.addi %get3A_245, %get3A_245 : vector<16xi32>
      %gather3A_252 = tpu.vector_load_idx %arg6[%add3A_250] : memref<100000xf32, #tpu.memory_space<vmem>>[vector<16xi32>], vector<16xf32>,
      %add3A_253 = arith.constant 1 : i32
      %add3A_254 = vector.broadcast %add3A_253 : i32 to vector<16xi32>
      %add3A_255 = arith.addi %add3A_250, %add3A_254 : vector<16xi32>
      %gather3A_256 = tpu.vector_load_idx %arg6[%add3A_255] : memref<100000xf32, #tpu.memory_space<vmem>>[vector<16xi32>], vector<16xf32>,
      %gather3A_257 = tpu.vector_load_idx %arg6[%add3A_251] : memref<100000xf32, #tpu.memory_space<vmem>>[vector<16xi32>], vector<16xf32>,
      %add3A_258 = arith.constant 1 : i32
      %add3A_259 = vector.broadcast %add3A_258 : i32 to vector<16xi32>
      %add3A_260 = arith.addi %add3A_251, %add3A_259 : vector<16xi32>
      %gather3A_261 = tpu.vector_load_idx %arg6[%add3A_260] : memref<100000xf32, #tpu.memory_space<vmem>>[vector<16xi32>], vector<16xf32>,
      %sub3A_262 = arith.subf %gather3A_252, %gather3A_257 : vector<16xf32>
      %sub3A_263 = arith.subf %gather3A_256, %gather3A_261 : vector<16xf32>
      %mul3A_264 = arith.mulf %sub3A_262, %sub3A_262 : vector<16xf32>
      %mul3A_265 = arith.mulf %sub3A_263, %sub3A_263 : vector<16xf32>
      %add3A_266 = arith.addf %mul3A_264, %mul3A_265 : vector<16xf32>
      %max3A_267 = arith.constant 1.000000e-30 : f32
      %max3A_268 = vector.broadcast %max3A_267 : f32 to vector<16xf32>
      %max3A_269 = arith.maximumf %add3A_266, %max3A_268 : vector<16xf32>
      %bitcast3A_270 = vector.bitcast %max3A_269 : vector<16xf32> to vector<16xi32>
      %shift_right_arithmetic3A_271 = arith.constant 1 : i32
      %shift_right_arithmetic3A_272 = vector.broadcast %shift_right_arithmetic3A_271 : i32 to vector<16xi32>
      %shift_right_arithmetic3A_273 = arith.shrsi %bitcast3A_270, %shift_right_arithmetic3A_272 : vector<16xi32>
      %sub3A_274 = arith.constant 1597463007 : i32
      %sub3A_275 = vector.broadcast %sub3A_274 : i32 to vector<16xi32>
      %sub3A_276 = arith.subi %sub3A_275, %shift_right_arithmetic3A_273 : vector<16xi32>
      %bitcast3A_277 = vector.bitcast %sub3A_276 : vector<16xi32> to vector<16xf32>
      %mul3A_278 = arith.constant 5.000000e-01 : f32
      %mul3A_279 = vector.broadcast %mul3A_278 : f32 to vector<16xf32>
      %mul3A_280 = arith.mulf %mul3A_279, %max3A_269 : vector<16xf32>
      %mul3A_281 = arith.mulf %mul3A_280, %bitcast3A_277 : vector<16xf32>
      %mul3A_282 = arith.mulf %mul3A_281, %bitcast3A_277 : vector<16xf32>
      %sub3A_283 = arith.constant 1.500000e+00 : f32
      %sub3A_284 = vector.broadcast %sub3A_283 : f32 to vector<16xf32>
      %sub3A_285 = arith.subf %sub3A_284, %mul3A_282 : vector<16xf32>
      %mul3A_286 = arith.mulf %bitcast3A_277, %sub3A_285 : vector<16xf32>
      %mul3A_287 = arith.mulf %mul3A_280, %mul3A_286 : vector<16xf32>
      %mul3A_288 = arith.mulf %mul3A_287, %mul3A_286 : vector<16xf32>
      %sub3A_289 = arith.constant 1.500000e+00 : f32
      %sub3A_290 = vector.broadcast %sub3A_289 : f32 to vector<16xf32>
      %sub3A_291 = arith.subf %sub3A_290, %mul3A_288 : vector<16xf32>
      %mul3A_292 = arith.mulf %mul3A_286, %sub3A_291 : vector<16xf32>
      %mul3A_293 = arith.mulf %max3A_269, %mul3A_292 : vector<16xf32>
      %sub3A_294 = arith.subf %mul3A_293, %get3A_249 : vector<16xf32>
      %div3A_295 = arith.divf %sub3A_294, %get3A_249 : vector<16xf32>
      %mul3A_296 = arith.mulf %div3A_295, %div3A_295 : vector<16xf32>
      %add3A_297 = arith.addf %scan3A_47, %mul3A_296 : vector<16xf32>
      %mul3A_298 = arith.constant 5 : i32
      %mul3A_299 = arith.muli %scan3A_43, %mul3A_298 : i32
      %add3A_300 = arith.constant 4 : i32
      %add3A_301 = arith.addi %mul3A_299, %add3A_300 : i32
      %mul3A_302 = arith.constant 16 : i32
      %mul3A_303 = arith.muli %add3A_301, %mul3A_302 : i32
      %get3A_304 = arith.index_cast %mul3A_303 : i32 to index
      %get3A_305 = tpu.vector_load %arg7[%get3A_304] {strides = array<i32>} : memref<2000xi32, #tpu.memory_space<vmem>>, vector<16xi32>,
      %mul3A_306 = arith.constant 16 : i32
      %mul3A_307 = arith.muli %add3A_301, %mul3A_306 : i32
      %get3A_308 = arith.index_cast %mul3A_307 : i32 to index
      %get3A_309 = tpu.vector_load %arg8[%get3A_308] {strides = array<i32>} : memref<2000xi32, #tpu.memory_space<vmem>>, vector<16xi32>,
      %mul3A_310 = arith.constant 16 : i32
      %mul3A_311 = arith.muli %add3A_301, %mul3A_310 : i32
      %get3A_312 = arith.index_cast %mul3A_311 : i32 to index
      %get3A_313 = tpu.vector_load %arg9[%get3A_312] {strides = array<i32>} : memref<2000xf32, #tpu.memory_space<vmem>>, vector<16xf32>,
      %add3A_314 = arith.addi %get3A_305, %get3A_305 : vector<16xi32>
      %add3A_315 = arith.addi %get3A_309, %get3A_309 : vector<16xi32>
      %gather3A_316 = tpu.vector_load_idx %arg6[%add3A_314] : memref<100000xf32, #tpu.memory_space<vmem>>[vector<16xi32>], vector<16xf32>,
      %add3A_317 = arith.constant 1 : i32
      %add3A_318 = vector.broadcast %add3A_317 : i32 to vector<16xi32>
      %add3A_319 = arith.addi %add3A_314, %add3A_318 : vector<16xi32>
      %gather3A_320 = tpu.vector_load_idx %arg6[%add3A_319] : memref<100000xf32, #tpu.memory_space<vmem>>[vector<16xi32>], vector<16xf32>,
      %gather3A_321 = tpu.vector_load_idx %arg6[%add3A_315] : memref<100000xf32, #tpu.memory_space<vmem>>[vector<16xi32>], vector<16xf32>,
      %add3A_322 = arith.constant 1 : i32
      %add3A_323 = vector.broadcast %add3A_322 : i32 to vector<16xi32>
      %add3A_324 = arith.addi %add3A_315, %add3A_323 : vector<16xi32>
      %gather3A_325 = tpu.vector_load_idx %arg6[%add3A_324] : memref<100000xf32, #tpu.memory_space<vmem>>[vector<16xi32>], vector<16xf32>,
      %sub3A_326 = arith.subf %gather3A_316, %gather3A_321 : vector<16xf32>
      %sub3A_327 = arith.subf %gather3A_320, %gather3A_325 : vector<16xf32>
      %mul3A_328 = arith.mulf %sub3A_326, %sub3A_326 : vector<16xf32>
      %mul3A_329 = arith.mulf %sub3A_327, %sub3A_327 : vector<16xf32>
      %add3A_330 = arith.addf %mul3A_328, %mul3A_329 : vector<16xf32>
      %max3A_331 = arith.constant 1.000000e-30 : f32
      %max3A_332 = vector.broadcast %max3A_331 : f32 to vector<16xf32>
      %max3A_333 = arith.maximumf %add3A_330, %max3A_332 : vector<16xf32>
      %bitcast3A_334 = vector.bitcast %max3A_333 : vector<16xf32> to vector<16xi32>
      %shift_right_arithmetic3A_335 = arith.constant 1 : i32
      %shift_right_arithmetic3A_336 = vector.broadcast %shift_right_arithmetic3A_335 : i32 to vector<16xi32>
      %shift_right_arithmetic3A_337 = arith.shrsi %bitcast3A_334, %shift_right_arithmetic3A_336 : vector<16xi32>
      %sub3A_338 = arith.constant 1597463007 : i32
      %sub3A_339 = vector.broadcast %sub3A_338 : i32 to vector<16xi32>
      %sub3A_340 = arith.subi %sub3A_339, %shift_right_arithmetic3A_337 : vector<16xi32>
      %bitcast3A_341 = vector.bitcast %sub3A_340 : vector<16xi32> to vector<16xf32>
      %mul3A_342 = arith.constant 5.000000e-01 : f32
      %mul3A_343 = vector.broadcast %mul3A_342 : f32 to vector<16xf32>
      %mul3A_344 = arith.mulf %mul3A_343, %max3A_333 : vector<16xf32>
      %mul3A_345 = arith.mulf %mul3A_344, %bitcast3A_341 : vector<16xf32>
      %mul3A_346 = arith.mulf %mul3A_345, %bitcast3A_341 : vector<16xf32>
      %sub3A_347 = arith.constant 1.500000e+00 : f32
      %sub3A_348 = vector.broadcast %sub3A_347 : f32 to vector<16xf32>
      %sub3A_349 = arith.subf %sub3A_348, %mul3A_346 : vector<16xf32>
      %mul3A_350 = arith.mulf %bitcast3A_341, %sub3A_349 : vector<16xf32>
      %mul3A_351 = arith.mulf %mul3A_344, %mul3A_350 : vector<16xf32>
      %mul3A_352 = arith.mulf %mul3A_351, %mul3A_350 : vector<16xf32>
      %sub3A_353 = arith.constant 1.500000e+00 : f32
      %sub3A_354 = vector.broadcast %sub3A_353 : f32 to vector<16xf32>
      %sub3A_355 = arith.subf %sub3A_354, %mul3A_352 : vector<16xf32>
      %mul3A_356 = arith.mulf %mul3A_350, %sub3A_355 : vector<16xf32>
      %mul3A_357 = arith.mulf %max3A_333, %mul3A_356 : vector<16xf32>
      %sub3A_358 = arith.subf %mul3A_357, %get3A_313 : vector<16xf32>
      %div3A_359 = arith.divf %sub3A_358, %get3A_313 : vector<16xf32>
      %mul3A_360 = arith.mulf %div3A_359, %div3A_359 : vector<16xf32>
      %add3A_361 = arith.addf %scan3A_48, %mul3A_360 : vector<16xf32>
      scf.yield %add3A_105, %add3A_169, %add3A_233, %add3A_297, %add3A_361 : vector<16xf32>, vector<16xf32>, vector<16xf32>, vector<16xf32>, vector<16xf32>
    }
    %scan3A_34 = arith.constant 25 : i32
    %add3A_35 = arith.addf %scan3A_33#0, %scan3A_33#1 : vector<16xf32>
    %add3A_36 = arith.addf %add3A_35, %scan3A_33#2 : vector<16xf32>
    %add3A_37 = arith.addf %add3A_36, %scan3A_33#3 : vector<16xf32>
    %add3A_38 = arith.addf %add3A_37, %scan3A_33#4 : vector<16xf32>
    %mul3A_39 = arith.constant 6.250000e-02 : f32
    %mul3A_40 = vector.broadcast %mul3A_39 : f32 to vector<16xf32>
    %mul3A_41 = arith.mulf %add3A_38, %mul3A_40 : vector<16xf32>
    %swap3A = arith.constant 0 : index
    %swap3A_42 = tpu.vector_load %arg13[%swap3A] {strides = array<i32>} : memref<16xf32, #tpu.memory_space<vmem>>, vector<16xf32>,
    tpu.vector_store %arg13[%swap3A], %mul3A_41 {strides = array<i32>} : memref<16xf32, #tpu.memory_space<vmem>>, vector<16xf32>,
    "tpu.region"() ({
      %run_scoped3A = tpu.sem_alloc : memref<!tpu.dma_semaphore, #tpu.memory_space<semaphore_mem>>
      %dma_start3A_43 = arith.constant 0 : i32
      %dma_start3A_44 = tpu.memref_slice %arg5[%add3A, %dma_start3A_43] : memref<32x16xf32, #tpu.memory_space<hbm>> -> memref<1x16xf32, #tpu.memory_space<hbm>>
      %dma_start3A_45 = tpu.memref_squeeze %dma_start3A_44 : memref<1x16xf32, #tpu.memory_space<hbm>> -> memref<16xf32, #tpu.memory_space<hbm>>
      %dma_start3A_46 = arith.constant 0 : i32
      %dma_start3A_47 = tpu.memref_slice %arg5[%add3A, %dma_start3A_46] : memref<32x16xf32, #tpu.memory_space<hbm>> -> memref<1x16xf32, #tpu.memory_space<hbm>>
      %dma_start3A_48 = tpu.memref_squeeze %dma_start3A_47 : memref<1x16xf32, #tpu.memory_space<hbm>> -> memref<16xf32, #tpu.memory_space<hbm>>
      tpu.enqueue_dma source(%arg13 : memref<16xf32, #tpu.memory_space<vmem>>) target(%dma_start3A_48 : memref<16xf32, #tpu.memory_space<hbm>>) target_semaphore(%run_scoped3A : memref<!tpu.dma_semaphore, #tpu.memory_space<semaphore_mem>>)
      %dma_wait3A_49 = arith.constant 0 : i32
      %dma_wait3A_50 = tpu.memref_slice %arg5[%add3A, %dma_wait3A_49] : memref<32x16xf32, #tpu.memory_space<hbm>> -> memref<1x16xf32, #tpu.memory_space<hbm>>
      %dma_wait3A_51 = tpu.memref_squeeze %dma_wait3A_50 : memref<1x16xf32, #tpu.memory_space<hbm>> -> memref<16xf32, #tpu.memory_space<hbm>>
      %dma_wait3A_52 = arith.constant 0 : i32
      %dma_wait3A_53 = tpu.memref_slice %arg5[%add3A, %dma_wait3A_52] : memref<32x16xf32, #tpu.memory_space<hbm>> -> memref<1x16xf32, #tpu.memory_space<hbm>>
      %dma_wait3A_54 = tpu.memref_squeeze %dma_wait3A_53 : memref<1x16xf32, #tpu.memory_space<hbm>> -> memref<16xf32, #tpu.memory_space<hbm>>
      tpu.wait_dma2 semaphore(%run_scoped3A : memref<!tpu.dma_semaphore, #tpu.memory_space<semaphore_mem>>) src(%arg13 : memref<16xf32, #tpu.memory_space<vmem>>) dst(%dma_wait3A_54 : memref<16xf32, #tpu.memory_space<hbm>>)
      tpu.yield
    }) : () -> ()
    return
  }
}

</mosaic_0001>

<sc_bundles>
// kernel: kernel.3.cloned.1.call-start
scs
__scs_entry_jumppad:
0x0: {  	(pc) =	sbr.rel $0x88, $3  }
0x1: {  	(tag) =	ssettag $0x0;
	lr =	simm.s32 $0x1  }
0x2: {  	[smem:$0x3F9E] =	sst lr;
	_ =	strace $0xD0000000  }
0x3: {  	_ = 	snop  }
0x4: {  	_ = 	snop  }
0x5: {  	_ = 	snop  }
0x6: {  	_ = 	snop  }
0x7: {  	_ = 	snop  }
__scs_overlays_trampoline_lowered:
0x8: {  	[smem:$0x3FAD] =	sst s0  }
0x9: {  	[smem:$0x3FAE] =	sst s1  }
0xa: {  	[smem:$0x3FAF] =	sst s2  }
0xb: {  	[smem:$0x3FB0] =	sst s3  }
0xc: {  	[smem:$0x3FB1] =	sst s4  }
0xd: {  	[smem:$0x3FB2] =	sst s5  }
0xe: {  	[smem:$0x3FB3] =	sst s6  }
0xf: {  	[smem:$0x3FB4] =	sst s7  }
0x10: {  	[smem:$0x3FB5] =	sst s8  }
0x11: {  	[smem:$0x3FB6] =	sst s9;
	s0 =	simm.s32 @!p0 $0x0  }
0x12: {  	s1 =	sld [smem:$0x3F9C];
	s0 =	simm.s32 @p0 $0x1  }
0x13: {  	[smem:$0x3FB7] =	sst s0;
	s0 =	simm.s32 @!p1 $0x0  }
0x14: {  	s2 =	sld [smem:$0x3F9B];
	s0 =	simm.s32 @p1 $0x1  }
0x15: {  	[smem:$0x3FB8] =	sst s0;
	s0 =	simm.s32 @!p2 $0x0  }
0x16: {  	s3 =	sld [smem:$0x3FDB];
	s0 =	simm.s32 @p2 $0x1  }
0x17: {  	s4 =	simm.s32 $0x1BF5;
	[smem:$0x3FBA] =	sst s0  }
0x18: {  	s0 =	sld [smem:$0x3F9D];
	_ =	swait.ge [sflag:s4], $0x0  }
0x19: {  	s7 =	sld [smem:$0x3F9E]  }
0x1a: {  	s8 =	sadd.s32 $0xFFFFE003, lr  }
0x1b: {  	s9 =	sadd.s32 $0xFFFFFEF7, lr;
	s5 =	simm.s32 $0xFFFFFFFF;
	p2 =	slt.u32 s8, $0xFFFFF086  }
0x1c: {  	p1 =	slt.u32 s9, $0xF7A;
	s5 =	simm.s32 @!p2 $0x0  }
0x1d: {  	s5 =	simm.s32 @p1 $0x1;
	p0 =	seq.s32 s7, s2  }
0x1e: {  	s7 =	smul.u32 @!p0 $0xF7A, s2;
	p2 =	seq.s32 @!p0 s5, $0x0  }
0x1f: {  	s9 =	smul.u32 $0xF7A, s1;
	s8 =	simm.s32 @!p0 $0x1BF5;
	p2 =	por !p2, p0  }
0x20: {  	[sflag:s8] =	ssyncset.s32 @!p0 $0xFFFFF086;
	s6 =	sadd.s32 @!p0 s3, s7;
	s7 =	simm.s32 @!p0 $0x108  }
0x21: {  	s3 =	sadd.s32 s3, s9;
	s6 =	sadd.s32 @!p0 $0x88, s6;
	s7 =	simm.s32 @p2 $0x1082  }
0x22: {  	[simem:s7], [sflag:s8] =	dma.local @!p0 [hbm:s6], $0xF7A  }
0x23: {  	s9 =	sor.u32 $0xD0000000, s2;
	s6 =	simm.s32 $0x108;
	_ =	swait.ge @!p0 [sflag:s8], $0x0  }
0x24: {  	s3 =	sadd.s32 $0x88, s3;
	s6 =	simm.s32 @!p1 $0x1082;
	[sflag:s4] =	ssyncset.s32 $0xFFFFF086  }
0x25: {  	[simem:s6], [sflag:s4] =	dma.local [hbm:s3], $0xF7A  }
0x26: {  	[smem:$0x3F9E] =	sst s1;
	(tag) =	ssettag s2;
	_ =	strace s9  }
0x27: {  	s1 =	sld [smem:$0x3FAE]  }
0x28: {  	s2 =	sld [smem:$0x3FAF]  }
0x29: {  	s4 =	sld [smem:$0x3FB1]  }
0x2a: {  	p0 =	seq.s32 s5, $0x0;
	s5 =	sld [smem:$0x3FB2]  }
0x2b: {  	s6 =	sld [smem:$0x3FB3]  }
0x2c: {  	s7 =	sld [smem:$0x3FB4]  }
0x2d: {  	s3 =	simm.s32 $0x108;
	s8 =	sld [smem:$0x3FB5]  }
0x2e: {  	s3 =	simm.s32 @!p0 $0x1082;
	s9 =	sld [smem:$0x3FB6]  }
0x2f: {  	lr =	sadd.s32 s0, s3;
	s0 =	sld [smem:$0x3FAD]  }
0x30: {  	s3 =	sld [smem:$0x3FB0]  }
0x31: {  	[smem:$0x3FB9] =	sst s10  }
0x32: {  	s10 =	sld [smem:$0x3FB7];
	_ =	sdelay $0x3  }
0x33: {  	p0 =	seq.s32 s10, $0x1;
	s10 =	sld [smem:$0x3FB9];
	_ =	sdelay $0x3  }
0x34: {  	[smem:$0x3FB9] =	sst s10  }
0x35: {  	s10 =	sld [smem:$0x3FB8];
	_ =	sdelay $0x3  }
0x36: {  	p1 =	seq.s32 s10, $0x1;
	s10 =	sld [smem:$0x3FB9];
	_ =	sdelay $0x3  }
0x37: {  	[smem:$0x3FB9] =	sst s10  }
0x38: {  	s10 =	sld [smem:$0x3FBA]  }
0x39: {  	_ = 	snop;
	(pc) =	sbr.ind lr, $3  }
0x3a: {  	_ = 	snop  }
0x3b: {  	_ = 	snop  }
0x3c: {  	p2 =	seq.s32 s10, $0x1;
	s10 =	sld [smem:$0x3FB9]  }
0x3d: {  	_ =	shalt  }
0x3e: {  	_ =	shalt  }
0x3f: {  	_ =	shalt  }
0x40: {  	_ =	shalt  }
0x41: {  	_ =	shalt  }
0x42: {  	_ =	shalt  }
0x43: {  	_ =	shalt  }
0x44: {  	_ =	shalt  }
0x45: {  	_ =	shalt  }
0x46: {  	_ =	shalt  }
0x47: {  	_ =	shalt  }
0x48: {  	_ =	shalt  }
0x49: {  	_ =	shalt  }
0x4a: {  	_ =	shalt  }
0x4b: {  	_ =	shalt  }
0x4c: {  	_ =	shalt  }
0x4d: {  	_ =	shalt  }
0x4e: {  	_ =	shalt  }
0x4f: {  	_ =	shalt  }
0x50: {  	_ =	shalt  }
0x51: {  	_ =	shalt  }
0x52: {  	_ =	shalt  }
0x53: {  	_ =	shalt  }
0x54: {  	_ =	shalt  }
0x55: {  	_ =	shalt  }
0x56: {  	_ =	shalt  }
0x57: {  	_ =	shalt  }
0x58: {  	_ =	shalt  }
0x59: {  	_ =	shalt  }
0x5a: {  	_ =	shalt  }
0x5b: {  	_ =	shalt  }
0x5c: {  	_ =	shalt  }
0x5d: {  	_ =	shalt  }
0x5e: {  	_ =	shalt  }
0x5f: {  	_ =	shalt  }
0x60: {  	_ =	shalt  }
0x61: {  	_ =	shalt  }
0x62: {  	_ =	shalt  }
0x63: {  	_ =	shalt  }
0x64: {  	_ =	shalt  }
0x65: {  	_ =	shalt  }
0x66: {  	_ =	shalt  }
0x67: {  	_ =	shalt  }
0x68: {  	_ =	shalt  }
0x69: {  	_ =	shalt  }
0x6a: {  	_ =	shalt  }
0x6b: {  	_ =	shalt  }
0x6c: {  	_ =	shalt  }
0x6d: {  	_ =	shalt  }
0x6e: {  	_ =	shalt  }
0x6f: {  	_ =	shalt  }
0x70: {  	_ =	shalt  }
0x71: {  	_ =	shalt  }
0x72: {  	_ =	shalt  }
0x73: {  	_ =	shalt  }
0x74: {  	_ =	shalt  }
0x75: {  	_ =	shalt  }
0x76: {  	_ =	shalt  }
0x77: {  	_ =	shalt  }
0x78: {  	_ =	shalt  }
0x79: {  	_ =	shalt  }
0x7a: {  	_ =	shalt  }
0x7b: {  	_ =	shalt  }
0x7c: {  	_ =	shalt  }
0x7d: {  	_ =	shalt  }
0x7e: {  	_ =	shalt  }
0x7f: {  	_ =	shalt  }
0x80: {  	_ =	shalt  }
0x81: {  	_ =	shalt  }
0x82: {  	_ =	shalt  }
0x83: {  	_ =	shalt  }
0x84: {  	_ =	shalt  }
0x85: {  	_ =	shalt  }
0x86: {  	_ =	shalt  }
0x87: {  	_ =	shalt  }
.Lfunc_end0:
.L_simem_size_0:
called_computation_lowered:
.L_overlay_start_0:
0x88: {  	s2 =	sld [smem:$0x3FD9]  }
0x89: {  	s3 =	sld [smem:$0x3FFE];
	_ =	sdelay $0x1  }
0x8a: {  	s1 =	srdreg.scid  }
0x8b: {  	s0 =	sand.u32 $0x1, s1  }
0x8c: {  	s16 =	sshll.u32 s0, $0xA;
	s2 =	sadd.s32 s3, s2  }
0x8d: {  	s2 =	sadd.s32 s2, s16  }
0x8e: {  	[smem:$0x3FC5] =	sst s2  }
0x8f: {  	_ = 	snop  }
0x90: {  	(tm) =	ssettm $0x1  }
0x91: {  	s17 =	sld [smem:$0x3FFB];
	_ =	sdelay $0x3  }
0x92: {  	_ =	strace s17  }
0x93: {  	s2 =	sld [smem:$0x3FFC];
	_ =	sdelay $0x3  }
0x94: {  	_ =	strace s2  }
0x95: {  	s2 =	sld [smem:$0x3FFD];
	_ =	sdelay $0x3  }
0x96: {  	_ =	strace s2  }
0x97: {  	_ =	strace $0x8FFFFFFF  }
0x98: {  	s18 =	sld [smem:$0x3FDB];
	_ =	sdelay $0x1  }
0x99: {  	s19 =	simm.s32 $_scs_section_size  }
0x9a: {  	s4 =	simm.s32 $_size__tile_overlayer_lowered;
	s5 =	simm.s32 $_tile_overlayer_lowered  }
0x9b: {  	s22 =	simm.s32 $0x1BFF;
	s21 =	sshll.u32 s5, $0x1;
	s2 =	sadd.s32 s19, s18  }
0x9c: {  	s6 =	simm.s32 $0x0;
	s20 =	sshll.u32 s4, $0x1;
	s4 =	sadd.s32 s21, s2  }
0x9d: {  	[timem:s6], [sflag:s22] =	dma.local [hbm:s4], s20  }
0x9e: {  	_ =	swait.ge [sflag:s22], s20  }
0x9f: {  	s3 =	ssub.s32 $0x0, s20;
	[sflag:s22] =	ssyncset.done $0x0  }
0xa0: {  	[sflag:s22] =	ssyncadd.s32 s3;
	_ =	sdelay $0x1  }
0xa1: {  	s23 =	simm.s32 $0x1B8B  }
0xa2: {  	_ =	swait.ge [sflag:s23], $0x1  }
0xa3: {  	[sflag:s23] =	ssyncset.done $0x0  }
0xa4: {  	s25 =	simm.s32 $0x1B8E;
	s24 =	sld [smem:$0x3FFE];
	[sflag:s23] =	ssyncadd.s32 $0xFFFFFFFF  }
0xa5: {  	s26 =	simm.s32 $execute0_lowered;
	[smem:$0x3FD2] =	sst s25  }
0xa6: {  	s4 =	sshll.u32 s26, $0x1;
	_ =	strace $0x80000046;
	[dreg:$0x1] =	wrdreg $0xFFFFFFFF  }
0xa7: {  	s28 =	simm.s32 $_size_execute0_lowered;
	s2 =	sadd.s32 s2, s4;
	[dreg:$0x0] =	wrdreg $0x0  }
0xa8: {  	s4 =	sshll.u32 s28, $0x1;
	[dreg:$0x2] =	wrdreg s2  }
0xa9: {  	[dreg:$0x3] =	wrdreg s4  }
0xaa: {  	[dreg:$0x4] =	wrdreg $0xC0  }
0xab: {  	_ =	task [dreg:s6], $0x5FFFF  }
0xac: {  	[dreg:$0x1] =	wrdreg $0xFFFFFFFF  }
0xad: {  	[dreg:$0x0] =	wrdreg $0x60  }
0xae: {  	[dreg:$0x2] =	wrdreg s24  }
0xaf: {  	[dreg:$0x3] =	wrdreg $0x9  }
0xb0: {  	_ =	task.clear_ibuf [dreg:s6], $0x4FFFF;
	_ =	strace $0x90000046  }
0xb1: {  	s29 =	simm.s32 $0x9;
	_ =	strace $0x80000048  }
0xb2: {  	_ =	swait.ge [sflag:s29], $0x1  }
0xb3: {  	[sflag:s29] =	ssyncadd.s32 $0xFFFFFFFF  }
0xb4: {  	_ =	strace $0x90000048  }
0xb5: {  	_ =	sfence  }
0xb6: {  	s30 =	sld [smem:$0x0];
	_ =	sdelay $0x2  }
0xb7: {  	s31 =	sshll.u32 s1, $0xD;
	s1 =	sshrl.u32 s1, $0x2  }
0xb8: {  	s3 =	sand.u32 $0x4000, s31;
	s1 =	sadd.s32 s1, s30  }
0xb9: {  	s0 =	sor.u32 s3, s0;
	s1 =	sshll.u32 s1, $0x11  }
0xba: {  	s0 =	sor.u32 s1, s0  }
0xbb: {  	s0 =	sadd.s32 $0x8F2B, s0  }
0xbc: {  	[sflag:s0] =	ssyncadd.remote.s32 $0x1  }
0xbd: {  	_ =	sfence.sel $0xFFFF  }
0xbe: {  	[dreg:$0x0] =	wrdreg $0xFFFFFFFF;
	(pc) =	sbr.abs _section_cstart, $3  }
0xbf: {  	[dreg:$0x1] =	wrdreg $0xFFFFFFFF  }
0xc0: {  	_ =	task.clear_ibuf [dreg:s6], $0x2FFFF;
	_ =	strace $0x9FFFFFFF  }
0xc1: {  	(tm) =	ssettm $0x7FFFFFFF  }
tec
execute0_lowered:
.L_overlay_start_1:
0x0: {  	(tag) =	ssettag $0x1  }
0x1: {  	s6 =	rddreg [dreg:$0x0]  }
0x2: {  	s0 =	rddreg [dreg:$0x1]  }
0x3: {  	s3 =	srdreg.scid;
	s1 =	stileid.u32  }
0x4: {  	s2 =	simm.s32 $0x0;
	s14 =	simm.s32 $0x18F00;
	s15 =	simm.s32 $0x19700  }
0x5: {  	s16 =	simm.s32 $0x1;
	s17 =	simm.s32 $0x2;
	s18 =	simm.s32 $0x19F00  }
0x6: {  	s19 =	simm.s32 $0x1A700;
	s20 =	simm.s32 $0x1AF00;
	s21 =	simm.s32 $0x3  }
0x7: {  	s22 =	simm.s32 $0x1B700;
	s23 =	simm.s32 $0x4;
	s24 =	simm.s32 $0x0  }
0x8: {  	s30 =	simm.s32 $0x0;
	s7 =	sand.u32 $0x1, s3;
	s31 =	sshll.u32 s1, $0x1  }
0x9: {  	[smem:$0x7FF] =	sst s2;
	s3 =	sadd.s32 $0x200, s6;
	s4 =	sadd.s32 $0x3400, s6  }
0xa: {  	s5 =	sadd.s32 $0x65000, s6;
	s8 =	sor.u32 s7, s31;
	s7 =	ssub.s32 $0x2, s7  }
0xb: {  	s10 =	smul.u32 $0xC350, s8;
	s8 =	sshll.u32 s8, $0x4;
	s9 =	sshrl.u32 s7, $0x1  }
0xc: {  	_ =	strace $0x80000047;
	s12 =	sadd.s32 s8, s6;
	s13 =	ssub.s32 s7, s9  }
0xd: {  	s11 =	sshrl.u32 s10, $0x3;
	s9 =	sadd.s32 $0x7D0, s10;
	s10 =	sadd.s32 $0xFA0, s10  }
0xe: {  	s6 =	sadd.s32 s4, s11;
	s8 =	sadd.s32 s5, s11;
	s11 =	sadd.s32 $0x95E00, s12  }
0xf: {  	s12 =	smax.u32 s13, $0x1;
	s13 =	simm.s32 $0x18700;
	s7 =	sadd.s32 $0x30D40, s6  }
.LBB2_1:
0x10: {  	[tilespmem:s2], [sflag:$0x1] =	stream.linear.gather [hbm4b:s3+s2], $0x18700, $0x38;
	[tilespmem:$0x1B780] =	vst v63  }
0x11: {  	_ = 	snop  }
0x12: {  	[tilespmem:s13], [sflag:$0x2] =	stream.linear.gather [hbm4b:s6+s2], $0x7D0, $0x38;
	[tilespmem:$0x1B780] =	vst v63  }
0x13: {  	_ = 	snop  }
0x14: {  	[tilespmem:s14], [sflag:$0x2] =	stream.linear.gather [hbm4b:s7+s2], $0x7D0, $0x38;
	[tilespmem:$0x1B780] =	vst v63  }
0x15: {  	_ = 	snop  }
0x16: {  	[tilespmem:s15], [sflag:$0x2] =	stream.linear.gather [hbm4b:s8+s2], $0x7D0, $0x38;
	[tilespmem:$0x1B780] =	vst v63  }
0x17: {  	_ =	swait.ge [sflag:s16], $0x18700  }
0x18: {  	v0 =	vimm.f32 $0.0e+00;
	v4 =	vimm.f32 $0.0e+00;
	[sflag:s16] =	ssyncset.done $0x0  }
0x19: {  	v1 =	vimm.f32 $0.0e+00;
	v2 =	vimm.f32 $0.0e+00;
	v3 =	vimm.f32 $0.0e+00;
	s25 =	simm.s32 $0x0;
	[sflag:s16] =	ssyncadd.s32 $0xFFFE7900  }
.LBB2_2:
0x1a: {  	_ =	swait.ge [sflag:s17], $0x7D0  }
0x1b: {  	[sflag:s17] =	ssyncset.done $0x0  }
0x1c: {  	[sflag:s17] =	ssyncadd.s32 $0xFFFFF830  }
0x1d: {  	_ =	swait.ge [sflag:s17], $0x7D0  }
0x1e: {  	s26 =	smul.u32 $0xFA0, s25;
	[sflag:s17] =	ssyncset.done $0x0  }
0x1f: {  	[sflag:s17] =	ssyncadd.s32 $0xFFFFF830  }
0x20: {  	s28 =	sadd.s32 s26, s9;
	_ =	swait.ge [sflag:s17], $0x7D0  }
0x21: {  	s28 =	sshrl.u32 s28, $0x3;
	[sflag:s17] =	ssyncset.done $0x0  }
0x22: {  	s29 =	sadd.s32 s4, s28;
	[sflag:s17] =	ssyncadd.s32 $0xFFFFF830  }
0x23: {  	[tilespmem:s18], [sflag:$0x3] =	stream.linear.gather [hbm4b:s29+s30], $0x7D0, $0x38;
	[tilespmem:$0x1B780] =	vst v63  }
0x24: {  	s29 =	sadd.s32 $0x30D40, s29  }
0x25: {  	[tilespmem:s19], [sflag:$0x3] =	stream.linear.gather [hbm4b:s29+s30], $0x7D0, $0x38;
	[tilespmem:$0x1B780] =	vst v63  }
0x26: {  	s28 =	sadd.s32 s5, s28  }
0x27: {  	[tilespmem:s20], [sflag:$0x3] =	stream.linear.gather [hbm4b:s28+s30], $0x7D0, $0x38;
	[tilespmem:$0x1B780] =	vst v63  }
0x28: {  	s28 =	simm.s32 $0x0  }
0x29: {  	v5 =	vld [tilespmem:s28+$0x18740]  }
0x2a: {  	v6 =	vld [tilespmem:s28+$0x18F40]  }
0x2b: {  	v7 =	vld [tilespmem:s28+$0x18700]  }
0x2c: {  	v10 =	vld [tilespmem:s28+$0x18F10]  }
0x2d: {  	v11 =	vld [tilespmem:s28+$0x18720]  }
0x2e: {  	v8 =	vld [tilespmem:s28+$0x18F00];
	v5 =	vshll.u32 v5, $0x1  }
0x2f: {  	v9 =	vld [tilespmem:s28+$0x18710];
	v6 =	vshll.u32 v6, $0x1  }
0x30: {  	v12 =	vld [tilespmem:s28+$0x18F20];
	v7 =	vshll.u32 v7, $0x1  }
0x31: {  	v14 =	vld [tilespmem:s28+$0x18730];
	v10 =	vshll.u32 v10, $0x1  }
0x32: {  	v17 =	vld [tilespmem:s28+$0x18F30];
	v11 =	vshll.u32 v11, $0x1  }
0x33: {  	v13 =	vor.u32 $0x1, v5;
	v5 =	vld.idx.msk [tilespmem:v5+s2+$0x0], $0xffff  }
0x34: {  	v15 =	vor.u32 $0x1, v6;
	v6 =	vld.idx.msk [tilespmem:v6+s2+$0x0], $0xffff  }
0x35: {  	v12 =	vshll.u32 v12, $0x1;
	v16 =	vor.u32 $0x1, v7;
	v7 =	vld.idx.msk [tilespmem:v7+s2+$0x0], $0xffff  }
0x36: {  	v8 =	vshll.u32 v8, $0x1;
	v20 =	vor.u32 $0x1, v10;
	v10 =	vld.idx.msk [tilespmem:v10+s2+$0x0], $0xffff  }
0x37: {  	v9 =	vshll.u32 v9, $0x1;
	v18 =	vor.u32 $0x1, v8;
	v21 =	vor.u32 $0x1, v11;
	v11 =	vld.idx.msk [tilespmem:v11+s2+$0x0], $0xffff  }
0x38: {  	v19 =	vor.u32 $0x1, v9;
	v13 =	vld.idx.msk [tilespmem:v13+s2+$0x0], $0xffff  }
0x39: {  	v15 =	vld.idx.msk [tilespmem:v15+s2+$0x0], $0xffff  }
0x3a: {  	v22 =	vor.u32 $0x1, v12;
	v12 =	vld.idx.msk [tilespmem:v12+s2+$0x0], $0xffff  }
0x3b: {  	v14 =	vshll.u32 v14, $0x1;
	v16 =	vld.idx.msk [tilespmem:v16+s2+$0x0], $0xffff  }
0x3c: {  	v23 =	vor.u32 $0x1, v14;
	v18 =	vld.idx.msk [tilespmem:v18+s2+$0x0], $0xffff  }
0x3d: {  	v17 =	vshll.u32 v17, $0x1;
	v19 =	vld.idx.msk [tilespmem:v19+s2+$0x0], $0xffff  }
0x3e: {  	v24 =	vor.u32 $0x1, v17;
	v20 =	vld.idx.msk [tilespmem:v20+s2+$0x0], $0xffff;
	v5 =	vsub.f32 v5, v6;
	v6 =	vsub.f32 v13, v15  }
0x3f: {  	v21 =	vld.idx.msk [tilespmem:v21+s2+$0x0], $0xffff  }
0x40: {  	v13 =	vld.idx.msk [tilespmem:v22+s2+$0x0], $0xffff;
	v5 =	vmul.f32 v5, v5;
	v6 =	vmul.f32 v6, v6  }
0x41: {  	v15 =	vld.idx.msk [tilespmem:v23+s2+$0x0], $0xffff  }
0x42: {  	v5 =	vadd.f32 v6, v5;
	v6 =	vld.idx.msk [tilespmem:v8+s2+$0x0], $0xffff  }
0x43: {  	v22 =	vld.idx.msk [tilespmem:v24+s2+$0x0], $0xffff  }
0x44: {  	v8 =	vld.idx.msk [tilespmem:v9+s2+$0x0], $0xffff;
	v9 =	vmax.f32 v5, $1.000000000e-30  }
0x45: {  	v5 =	vshra.s32 v9, $0x1;
	v23 =	vmul.f32 $5.000000000e-01, v9  }
0x46: {  	v14 =	vld.idx.msk [tilespmem:v14+s2+$0x0], $0xffff;
	v11 =	vsub.f32 v11, v12;
	v13 =	vsub.f32 v21, v13;
	v24 =	vsub.s32 $0x5F3759DF, v5  }
0x47: {  	v5 =	vsub.f32 v16, v18;
	v16 =	vmul.f32 v24, v23;
	v6 =	vsub.f32 v7, v6;
	v7 =	vld.idx.msk [tilespmem:v17+s2+$0x0], $0xffff  }
0x48: {  	v11 =	vmul.f32 v11, v11;
	v13 =	vmul.f32 v13, v13;
	v18 =	vsub.f32 v19, v20  }
0x49: {  	v8 =	vsub.f32 v8, v10;
	v10 =	vsub.f32 v15, v22;
	v16 =	vmul.f32 v24, v16  }
0x4a: {  	v11 =	vadd.f32 v13, v11;
	v19 =	vmul.f32 v5, v5;
	v6 =	vmul.f32 v6, v6  }
0x4b: {  	v17 =	vmul.f32 v18, v18;
	v5 =	vld [tilespmem:s28+$0x19700];
	v8 =	vmul.f32 v8, v8;
	v15 =	vsub.f32 $1.500000000e+00, v16  }
0x4c: {  	v11 =	vmax.f32 v11, $1.000000000e-30;
	v6 =	vadd.f32 v19, v6;
	v7 =	vsub.f32 v14, v7  }
0x4d: {  	v12 =	vld [tilespmem:s28+$0x19740];
	v10 =	vmul.f32 v10, v10;
	v18 =	vshra.s32 v11, $0x1;
	v15 =	vmul.f32 v24, v15  }
0x4e: {  	v8 =	vadd.f32 v17, v8;
	v6 =	vmax.f32 v6, $1.000000000e-30;
	v7 =	vmul.f32 v7, v7  }
0x4f: {  	v13 =	vshra.s32 v6, $0x1;
	v16 =	vmul.f32 $5.000000000e-01, v6;
	v14 =	vmul.f32 v15, v23  }
0x50: {  	v19 =	vmul.f32 $5.000000000e-01, v11;
	(erf) = vrcp.f32 v5;
	v13 =	vsub.s32 $0x5F3759DF, v13  }
0x51: {  	v7 =	vadd.f32 v10, v7;
	v23 =	vmul.f32 v13, v16;
	v14 =	vmul.f32 v14, v15  }
0x52: {  	v18 =	vsub.s32 $0x5F3759DF, v18;
	v8 =	vmax.f32 v8, $1.000000000e-30;
	(erf) = vrcp.f32 v12  }
0x53: {  	v20 =	vld [tilespmem:s28+$0x19710];
	v7 =	vmax.f32 v7, $1.000000000e-30;
	v23 =	vmul.f32 v13, v23;
	v14 =	vsub.f32 $1.500000000e+00, v14  }
0x54: {  	v24 =	vld [tilespmem:s28+$0x19730];
	v25 =	vmul.f32 v18, v19;
	v17 =	vmul.f32 $5.000000000e-01, v8;
	v21 =	vshra.s32 v7, $0x1  }
0x55: {  	v22 =	vmul.f32 $5.000000000e-01, v7;
	v23 =	vsub.f32 $1.500000000e+00, v23;
	v14 =	vmul.f32 v14, v15;
	v15 =	vld [tilespmem:s28+$0x19720];
	s28 =	simm.s32 $0x50  }
0x56: {  	v25 =	vmul.f32 v18, v25;
	v10 =	vshra.s32 v8, $0x1;
	v21 =	vsub.s32 $0x5F3759DF, v21;
	v26 =	vld [tilespmem:s28+$0x18740]  }
0x57: {  	v10 =	vsub.s32 $0x5F3759DF, v10;
	v28 =	vmul.f32 v21, v22;
	v30 =	vld [tilespmem:s28+$0x18700];
	v13 =	vmul.f32 v13, v23  }
0x58: {  	v31 =	vld [tilespmem:s28+$0x18710];
	v9 =	vmul.f32 v14, v9;
	v14 =	vmul.f32 v10, v17  }
0x59: {  	v32 =	vld [tilespmem:s28+$0x18730];
	v28 =	vmul.f32 v21, v28;
	v16 =	vmul.f32 v13, v16  }
0x5a: {  	v27 =	vpop (erf);
	v9 =	vsub.f32 v9, v12;
	v14 =	vmul.f32 v10, v14  }
0x5b: {  	v25 =	vsub.f32 $1.500000000e+00, v25;
	v29 =	vpop (erf);
	v12 =	vld [tilespmem:s28+$0x18F40];
	v23 =	vsub.f32 $1.500000000e+00, v28;
	v16 =	vmul.f32 v16, v13  }
0x5c: {  	v28 =	vld [tilespmem:s28+$0x18F10];
	v9 =	vmul.f32 v9, v29;
	v14 =	vsub.f32 $1.500000000e+00, v14;
	v26 =	vshll.u32 v26, $0x1  }
0x5d: {  	v36 =	vld [tilespmem:s28+$0x18F30];
	v21 =	vmul.f32 v21, v23;
	v23 =	vshll.u32 v30, $0x1;
	v30 =	vor.u32 $0x1, v26  }
0x5e: {  	v29 =	vld [tilespmem:s28+$0x18F00];
	v31 =	vshll.u32 v31, $0x1;
	v32 =	vshll.u32 v32, $0x1;
	v34 =	vor.u32 $0x1, v23  }
0x5f: {  	v37 =	vor.u32 $0x1, v31;
	v10 =	vmul.f32 v10, v14;
	v14 =	vmul.f32 v18, v25;
	v18 =	vld [tilespmem:s28+$0x18720]  }
0x60: {  	v41 =	vor.u32 $0x1, v32;
	v25 =	vld [tilespmem:s28+$0x18F20]  }
0x61: {  	v16 =	vsub.f32 $1.500000000e+00, v16;
	v12 =	vshll.u32 v12, $0x1;
	v28 =	vshll.u32 v28, $0x1;
	v26 =	vld.idx.msk [tilespmem:v26+s2+$0x0], $0xffff  }
0x62: {  	v33 =	vor.u32 $0x1, v12;
	v17 =	vmul.f32 v10, v17;
	v19 =	vmul.f32 v14, v19;
	v30 =	vld.idx.msk [tilespmem:v30+s2+$0x0], $0xffff  }
0x63: {  	v13 =	vmul.f32 v16, v13;
	v38 =	vor.u32 $0x1, v28;
	v29 =	vshll.u32 v29, $0x1;
	v34 =	vld.idx.msk [tilespmem:v34+s2+$0x0], $0xffff  }
0x64: {  	v35 =	vor.u32 $0x1, v29;
	v17 =	vmul.f32 v17, v10;
	v19 =	vmul.f32 v19, v14;
	v37 =	vld.idx.msk [tilespmem:v37+s2+$0x0], $0xffff  }
0x65: {  	v6 =	vmul.f32 v13, v6;
	v13 =	vld.idx.msk [tilespmem:v41+s2+$0x0], $0xffff;
	v18 =	vshll.u32 v18, $0x1;
	v25 =	vshll.u32 v25, $0x1  }
0x66: {  	v12 =	vld.idx.msk [tilespmem:v12+s2+$0x0], $0xffff;
	v39 =	vor.u32 $0x1, v18;
	v17 =	vsub.f32 $1.500000000e+00, v17;
	v19 =	vsub.f32 $1.500000000e+00, v19  }
0x67: {  	v40 =	vor.u32 $0x1, v25;
	v33 =	vld.idx.msk [tilespmem:v33+s2+$0x0], $0xffff  }
0x68: {  	v36 =	vshll.u32 v36, $0x1;
	v38 =	vld.idx.msk [tilespmem:v38+s2+$0x0], $0xffff;
	v10 =	vmul.f32 v17, v10;
	v14 =	vmul.f32 v19, v14  }
0x69: {  	v42 =	vor.u32 $0x1, v36;
	v22 =	vmul.f32 v21, v22;
	v35 =	vld.idx.msk [tilespmem:v35+s2+$0x0], $0xffff  }
0x6a: {  	v5 =	vsub.f32 v6, v5;
	v6 =	vmul.f32 v10, v8;
	v8 =	vmul.f32 v14, v11;
	v11 =	vld.idx.msk [tilespmem:v23+s2+$0x0], $0xffff  }
0x6b: {  	(erf) = vrcp.f32 v20;
	v22 =	vmul.f32 v22, v21;
	v16 =	vld.idx.msk [tilespmem:v39+s2+$0x0], $0xffff  }
0x6c: {  	(erf) = vrcp.f32 v15;
	v12 =	vsub.f32 v26, v12;
	v26 =	vld.idx.msk [tilespmem:v40+s2+$0x0], $0xffff;
	v17 =	vsub.f32 v30, v33  }
0x6d: {  	(erf) = vrcp.f32 v24;
	v22 =	vsub.f32 $1.500000000e+00, v22;
	v23 =	vld.idx.msk [tilespmem:v25+s2+$0x0], $0xffff  }
0x6e: {  	v30 =	vld.idx.msk [tilespmem:v42+s2+$0x0], $0xffff;
	v12 =	vmul.f32 v12, v12;
	v17 =	vmul.f32 v17, v17  }
0x6f: {  	v9 =	vmul.f32 v9, v9;
	v10 =	vmul.f32 v22, v21;
	v8 =	vsub.f32 v8, v15;
	v15 =	vld.idx.msk [tilespmem:v31+s2+$0x0], $0xffff  }
0x70: {  	v25 =	vmul.f32 v5, v27;
	v14 =	vsub.f32 v37, v38;
	v12 =	vadd.f32 v17, v12;
	v17 =	vld.idx.msk [tilespmem:v29+s2+$0x0], $0xffff  }
0x71: {  	v6 =	vsub.f32 v6, v20;
	v7 =	vmul.f32 v10, v7;
	v10 =	vsub.f32 v16, v26;
	v16 =	vld.idx.msk [tilespmem:v28+s2+$0x0], $0xffff  }
0x72: {  	v19 =	vsub.f32 v34, v35;
	v14 =	vmul.f32 v14, v14;
	v12 =	vmax.f32 v12, $1.000000000e-30  }
0x73: {  	v7 =	vsub.f32 v7, v24;
	v20 =	vshra.s32 v12, $0x1;
	v21 =	vmul.f32 $5.000000000e-01, v12  }
0x74: {  	v22 =	vmul.f32 v10, v10;
	v10 =	vsub.f32 v13, v30;
	v13 =	vsub.s32 $0x5F3759DF, v20  }
0x75: {  	v18 =	vld.idx.msk [tilespmem:v18+s2+$0x0], $0xffff;
	v19 =	vmul.f32 v19, v19;
	v24 =	vmul.f32 v13, v21;
	v11 =	vsub.f32 v11, v17  }
0x76: {  	v17 =	vmul.f32 v10, v10;
	v15 =	vsub.f32 v15, v16;
	v16 =	vmul.f32 v25, v25;
	v20 =	vpop (erf)  }
0x77: {  	v26 =	vld.idx.msk [tilespmem:v32+s2+$0x0], $0xffff;
	v5 =	vpop (erf);
	v6 =	vmul.f32 v6, v20;
	v20 =	vmul.f32 v13, v24  }
0x78: {  	v4 =	vadd.f32 v9, v4;
	v10 =	vld.idx.msk [tilespmem:v36+s2+$0x0], $0xffff;
	v11 =	vmul.f32 v11, v11;
	v9 =	vpop (erf);
	v8 =	vmul.f32 v8, v5  }
0x79: {  	v5 =	vld [tilespmem:s28+$0x19700];
	v9 =	vmul.f32 v7, v9;
	v7 =	vsub.f32 $1.500000000e+00, v20;
	v24 =	vmul.f32 v6, v6  }
0x7a: {  	v25 =	vld [tilespmem:s28+$0x19740];
	v6 =	vadd.f32 v19, v11;
	v11 =	vmul.f32 v15, v15;
	v15 =	vsub.f32 v18, v23  }
0x7b: {  	v3 =	vadd.f32 v16, v3;
	v31 =	vmul.f32 v8, v8;
	v7 =	vmul.f32 v13, v7  }
0x7c: {  	v8 =	vadd.f32 v14, v11;
	v11 =	vmul.f32 v15, v15;
	v13 =	vmax.f32 v6, $1.000000000e-30  }
0x7d: {  	v14 =	vsub.f32 v26, v10;
	v19 =	vshra.s32 v13, $0x1;
	v6 =	vmul.f32 v7, v21  }
0x7e: {  	v18 =	vmul.f32 $5.000000000e-01, v13;
	(erf) = vrcp.f32 v5;
	v10 =	vmax.f32 v8, $1.000000000e-30  }
0x7f: {  	v8 =	vadd.f32 v22, v11;
	(erf) = vrcp.f32 v25;
	v6 =	vmul.f32 v6, v7  }
0x80: {  	v11 =	vmul.f32 v14, v14;
	v19 =	vsub.s32 $0x5F3759DF, v19;
	v20 =	vshra.s32 v10, $0x1  }
0x81: {  	v15 =	vmul.f32 $5.000000000e-01, v10;
	v26 =	vmul.f32 v19, v18;
	v6 =	vsub.f32 $1.500000000e+00, v6  }
0x82: {  	v14 =	vmax.f32 v8, $1.000000000e-30;
	v8 =	vadd.f32 v17, v11;
	v22 =	vsub.s32 $0x5F3759DF, v20  }
0x83: {  	v21 =	vshra.s32 v14, $0x1;
	v16 =	vmul.f32 $5.000000000e-01, v14;
	v6 =	vmul.f32 v6, v7  }
0x84: {  	v30 =	vmul.f32 v22, v15;
	v11 =	vmax.f32 v8, $1.000000000e-30;
	v20 =	vsub.s32 $0x5F3759DF, v21;
	v8 =	vld [tilespmem:s28+$0x19720]  }
0x85: {  	v23 =	vshra.s32 v11, $0x1;
	v17 =	vmul.f32 $5.000000000e-01, v11;
	v7 =	vld [tilespmem:s28+$0x19710];
	v27 =	vmul.f32 v6, v12  }
0x86: {  	v2 =	vadd.f32 v24, v2;
	v63 =	vmul.f32 v20, v16;
	v21 =	vsub.s32 $0x5F3759DF, v23;
	v6 =	vld [tilespmem:s28+$0x19730];
	s28 =	simm.s32 $0xA0  }
0x87: {  	v28 =	vmul.f32 v19, v26;
	v29 =	vmul.f32 v21, v17;
	v12 =	vpop (erf);
	v23 =	vld [tilespmem:s28+$0x18740];
	v26 =	vsub.f32 v27, v25  }
0x88: {  	s29 =	simm.s32 $0x3C0;
	v1 =	vadd.f32 v31, v1;
	v24 =	vld [tilespmem:s28+$0x18F40];
	v27 =	vmul.f32 v22, v30;
	v25 =	vmul.f32 v20, v63;
	v30 =	vpop (erf)  }
.LBB2_3:
0x89: {  	p0 =	sne.s32 s29, $0x1E00;
	v31 =	vld [tilespmem:s28+$0x18700];
	v28 =	vsub.f32 $1.500000000e+00, v28;
	v29 =	vmul.f32 v21, v29;
	v26 =	vmul.f32 v26, v30  }
0x8a: {  	v30 =	vld [tilespmem:s28+$0x18F00];
	v27 =	vsub.f32 $1.500000000e+00, v27;
	v25 =	vsub.f32 $1.500000000e+00, v25;
	(erf) = vrcp.f32 v7  }
0x8b: {  	v32 =	vld [tilespmem:s28+$0x18710];
	v19 =	vmul.f32 v19, v28;
	v28 =	vsub.f32 $1.500000000e+00, v29;
	v26 =	vmul.f32 v26, v26  }
0x8c: {  	v29 =	vld [tilespmem:s28+$0x18F10];
	v23 =	vshll.u32 v23, $0x1;
	v22 =	vmul.f32 v22, v27;
	v20 =	vmul.f32 v20, v25  }
0x8d: {  	v25 =	vld [tilespmem:s28+$0x18720];
	v24 =	vshll.u32 v24, $0x1;
	v21 =	vmul.f32 v21, v28;
	v4 =	vadd.f32 v26, v4  }
0x8e: {  	v28 =	vor.u32 $0x1, v23;
	v18 =	vmul.f32 v19, v18;
	v26 =	vshll.u32 v31, $0x1;
	v27 =	vld [tilespmem:s28+$0x18F20]  }
0x8f: {  	v34 =	vor.u32 $0x1, v24;
	v30 =	vshll.u32 v30, $0x1;
	v31 =	vor.u32 $0x1, v26;
	v33 =	vld [tilespmem:s28+$0x18730]  }
0x90: {  	v15 =	vmul.f32 v22, v15;
	v35 =	vor.u32 $0x1, v30;
	v32 =	vshll.u32 v32, $0x1;
	v36 =	vld [tilespmem:s28+$0x18F30]  }
0x91: {  	v16 =	vmul.f32 v20, v16;
	v29 =	vshll.u32 v29, $0x1;
	v37 =	vor.u32 $0x1, v32;
	v23 =	vld.idx.msk [tilespmem:v23+s2+$0x0], $0xffff  }
0x92: {  	v17 =	vmul.f32 v21, v17;
	v38 =	vor.u32 $0x1, v29;
	v25 =	vshll.u32 v25, $0x1;
	v24 =	vld.idx.msk [tilespmem:v24+s2+$0x0], $0xffff  }
0x93: {  	v18 =	vmul.f32 v18, v19;
	v27 =	vshll.u32 v27, $0x1;
	v39 =	vor.u32 $0x1, v25;
	v28 =	vld.idx.msk [tilespmem:v28+s2+$0x0], $0xffff;
	v40 =	vpop (erf)  }
0x94: {  	v15 =	vmul.f32 v15, v22;
	v41 =	vor.u32 $0x1, v27;
	v33 =	vshll.u32 v33, $0x1;
	v34 =	vld.idx.msk [tilespmem:v34+s2+$0x0], $0xffff  }
0x95: {  	v16 =	vmul.f32 v16, v20;
	v31 =	vld.idx.msk [tilespmem:v31+s2+$0x0], $0xffff;
	v36 =	vshll.u32 v36, $0x1;
	v42 =	vor.u32 $0x1, v33  }
0x96: {  	v17 =	vmul.f32 v17, v21;
	v35 =	vld.idx.msk [tilespmem:v35+s2+$0x0], $0xffff;
	v43 =	vor.u32 $0x1, v36;
	(erf) = vrcp.f32 v8  }
0x97: {  	v18 =	vsub.f32 $1.500000000e+00, v18;
	v15 =	vsub.f32 $1.500000000e+00, v15;
	v37 =	vld.idx.msk [tilespmem:v37+s2+$0x0], $0xffff;
	(erf) = vrcp.f32 v6  }
0x98: {  	v9 =	vmul.f32 v9, v9;
	v16 =	vsub.f32 $1.500000000e+00, v16;
	v17 =	vsub.f32 $1.500000000e+00, v17;
	v38 =	vld.idx.msk [tilespmem:v38+s2+$0x0], $0xffff  }
0x99: {  	v18 =	vmul.f32 v18, v19;
	v15 =	vmul.f32 v15, v22;
	v39 =	vld.idx.msk [tilespmem:v39+s2+$0x0], $0xffff  }
0x9a: {  	v16 =	vmul.f32 v16, v20;
	v22 =	vsub.f32 v23, v24;
	v23 =	vsub.f32 v28, v34;
	v19 =	vld.idx.msk [tilespmem:v41+s2+$0x0], $0xffff  }
0x9b: {  	v0 =	vadd.f32 v9, v0;
	v13 =	vmul.f32 v18, v13;
	v17 =	vmul.f32 v17, v21;
	v20 =	vld.idx.msk [tilespmem:v42+s2+$0x0], $0xffff  }
0x9c: {  	v21 =	vmul.f32 v22, v22;
	v9 =	vsub.f32 v31, v35;
	v22 =	vmul.f32 v23, v23;
	v18 =	vld.idx.msk [tilespmem:v43+s2+$0x0], $0xffff  }
0x9d: {  	v10 =	vmul.f32 v15, v10;
	v5 =	vsub.f32 v13, v5;
	v13 =	vmul.f32 v16, v14;
	v23 =	vld.idx.msk [tilespmem:v26+s2+$0x0], $0xffff  }
0x9e: {  	v15 =	vmul.f32 v9, v9;
	v9 =	vsub.f32 v37, v38;
	v22 =	vadd.f32 v22, v21;
	v14 =	vld.idx.msk [tilespmem:v30+s2+$0x0], $0xffff  }
0x9f: {  	v7 =	vsub.f32 v10, v7;
	v10 =	vmul.f32 v17, v11;
	v8 =	vsub.f32 v13, v8;
	v21 =	vld.idx.msk [tilespmem:v32+s2+$0x0], $0xffff;
	v11 =	vpop (erf)  }
0xa0: {  	v17 =	vmul.f32 v9, v9;
	v9 =	vsub.f32 v39, v19;
	v24 =	vmax.f32 v22, $1.000000000e-30;
	v13 =	vld.idx.msk [tilespmem:v29+s2+$0x0], $0xffff;
	v16 =	vpop (erf)  }
0xa1: {  	v6 =	vsub.f32 v10, v6;
	v22 =	vshra.s32 v24, $0x1;
	v19 =	vld.idx.msk [tilespmem:v25+s2+$0x0], $0xffff;
	v25 =	vmul.f32 $5.000000000e-01, v24  }
0xa2: {  	v26 =	vmul.f32 v9, v9;
	v9 =	vsub.f32 v20, v18;
	v18 =	vsub.s32 $0x5F3759DF, v22;
	v10 =	vld.idx.msk [tilespmem:v27+s2+$0x0], $0xffff  }
0xa3: {  	v12 =	vmul.f32 v5, v12;
	v20 =	vld.idx.msk [tilespmem:v33+s2+$0x0], $0xffff;
	v22 =	vmul.f32 v18, v25  }
0xa4: {  	v28 =	vmul.f32 v7, v40;
	v14 =	vsub.f32 v23, v14;
	v27 =	vmul.f32 v9, v9;
	v23 =	vld.idx.msk [tilespmem:v36+s2+$0x0], $0xffff  }
0xa5: {  	v11 =	vmul.f32 v8, v11;
	v5 =	vld [tilespmem:s28+$0x19700];
	v22 =	vmul.f32 v18, v22  }
0xa6: {  	v9 =	vmul.f32 v6, v16;
	v14 =	vmul.f32 v14, v14;
	v13 =	vsub.f32 v21, v13;
	v7 =	vld [tilespmem:s28+$0x19710]  }
0xa7: {  	v12 =	vmul.f32 v12, v12;
	v28 =	vmul.f32 v28, v28;
	v8 =	vld [tilespmem:s28+$0x19720];
	v16 =	vsub.f32 $1.500000000e+00, v22  }
0xa8: {  	v14 =	vadd.f32 v15, v14;
	v13 =	vmul.f32 v13, v13;
	v10 =	vsub.f32 v19, v10;
	v30 =	vld [tilespmem:s28+$0x19740]  }
0xa9: {  	v3 =	vadd.f32 v12, v3;
	v31 =	vmul.f32 v11, v11;
	v6 =	vld [tilespmem:s28+$0x19730];
	v19 =	vmul.f32 v18, v16  }
0xaa: {  	v11 =	vadd.f32 v17, v13;
	v12 =	vmul.f32 v10, v10;
	v15 =	vsub.f32 v20, v23  }
0xab: {  	v13 =	vmax.f32 v14, $1.000000000e-30;
	v14 =	vmul.f32 v19, v25;
	(erf) = vrcp.f32 v5  }
0xac: {  	v10 =	vmax.f32 v11, $1.000000000e-30;
	v11 =	vadd.f32 v26, v12;
	v12 =	vmul.f32 v15, v15  }
0xad: {  	v20 =	vshra.s32 v13, $0x1;
	v16 =	vmul.f32 v14, v19;
	(erf) = vrcp.f32 v30  }
0xae: {  	v18 =	vmul.f32 $5.000000000e-01, v13;
	v14 =	vmax.f32 v11, $1.000000000e-30;
	v11 =	vadd.f32 v27, v12  }
0xaf: {  	v15 =	vmul.f32 $5.000000000e-01, v10;
	v12 =	vshra.s32 v10, $0x1;
	v21 =	vsub.f32 $1.500000000e+00, v16  }
0xb0: {  	v23 =	vshra.s32 v14, $0x1;
	v16 =	vmul.f32 $5.000000000e-01, v14;
	v11 =	vmax.f32 v11, $1.000000000e-30  }
0xb1: {  	v25 =	vshra.s32 v11, $0x1;
	v17 =	vmul.f32 $5.000000000e-01, v11;
	v26 =	vmul.f32 v21, v19  }
.Ltmp0:
0xb2: {  	v22 =	vsub.s32 $0x5F3759DF, v12;
	v19 =	vsub.s32 $0x5F3759DF, v20;
	v20 =	vsub.s32 $0x5F3759DF, v23;
	(pc) =	sbr.rel @p0 .LBB2_3-.Ltmp0, $4  }
0xb3: {  	v21 =	vsub.s32 $0x5F3759DF, v25;
	v27 =	vmul.f32 v19, v18;
	v24 =	vmul.f32 v26, v24  }
0xb4: {  	v2 =	vadd.f32 v28, v2;
	s28 =	sshra.s32 s29, $0x2;
	v25 =	vmul.f32 v22, v15;
	v32 =	vmul.f32 v20, v16;
	v12 =	vpop (erf)  }
0xb5: {  	v29 =	vmul.f32 v21, v17;
	v28 =	vmul.f32 v19, v27;
	v23 =	vld [tilespmem:s28+$0x18740];
	v26 =	vsub.f32 v24, v30  }
0xb6: {  	v1 =	vadd.f32 v31, v1;
	s29 =	sadd.s32 $0x140, s29;
	v27 =	vmul.f32 v22, v25;
	v25 =	vmul.f32 v20, v32;
	v24 =	vld [tilespmem:s28+$0x18F40];
	v30 =	vpop (erf)  }
0xb7: {  	v31 =	vld [tilespmem:s28+$0x18700]  }
0xb8: {  	v32 =	vld [tilespmem:s28+$0x18F00]  }
0xb9: {  	v33 =	vld [tilespmem:s28+$0x18710]  }
0xba: {  	v34 =	vld [tilespmem:s28+$0x18F10];
	v27 =	vsub.f32 $1.500000000e+00, v27  }
0xbb: {  	v35 =	vld [tilespmem:s28+$0x18720];
	v29 =	vmul.f32 v21, v29;
	v25 =	vsub.f32 $1.500000000e+00, v25  }
0xbc: {  	v28 =	vsub.f32 $1.500000000e+00, v28;
	v36 =	vld [tilespmem:s28+$0x18F20];
	v26 =	vmul.f32 v26, v30;
	v22 =	vmul.f32 v22, v27  }
0xbd: {  	v40 =	vld [tilespmem:s28+$0x18F30];
	v29 =	vsub.f32 $1.500000000e+00, v29;
	v23 =	vshll.u32 v23, $0x1;
	v25 =	vmul.f32 v20, v25  }
0xbe: {  	v28 =	vmul.f32 v19, v28;
	v20 =	vld [tilespmem:s28+$0x19740];
	v24 =	vshll.u32 v24, $0x1;
	v15 =	vmul.f32 v22, v15  }
0xbf: {  	v21 =	vmul.f32 v21, v29;
	v30 =	vshll.u32 v31, $0x1;
	v31 =	vld [tilespmem:s28+$0x18730];
	v16 =	vmul.f32 v25, v16  }
0xc0: {  	v37 =	vor.u32 $0x1, v23;
	v18 =	vmul.f32 v28, v18;
	v59 =	vmul.f32 v15, v22;
	v15 =	vld [tilespmem:s28+$0x19700]  }
0xc1: {  	v38 =	vor.u32 $0x1, v24;
	v17 =	vmul.f32 v21, v17;
	v45 =	vmul.f32 v16, v25;
	v16 =	vld [tilespmem:s28+$0x19710]  }
0xc2: {  	v32 =	vshll.u32 v32, $0x1;
	v23 =	vld.idx.msk [tilespmem:v23+s2+$0x0], $0xffff  }
0xc3: {  	v39 =	vor.u32 $0x1, v30;
	v18 =	vmul.f32 v18, v28;
	v46 =	vmul.f32 v17, v21;
	v17 =	vld [tilespmem:s28+$0x19720]  }
0xc4: {  	v33 =	vshll.u32 v33, $0x1;
	v41 =	vor.u32 $0x1, v32;
	v24 =	vld.idx.msk [tilespmem:v24+s2+$0x0], $0xffff  }
0xc5: {  	v34 =	vshll.u32 v34, $0x1;
	v42 =	vor.u32 $0x1, v33;
	v18 =	vsub.f32 $1.500000000e+00, v18;
	v37 =	vld.idx.msk [tilespmem:v37+s2+$0x0], $0xffff  }
0xc6: {  	v19 =	vmul.f32 v26, v26;
	v36 =	vshll.u32 v36, $0x1;
	v43 =	vor.u32 $0x1, v34;
	v26 =	vld.idx.msk [tilespmem:v38+s2+$0x0], $0xffff  }
0xc7: {  	v40 =	vshll.u32 v40, $0x1;
	v58 =	vor.u32 $0x1, v36;
	v28 =	vmul.f32 v18, v28;
	v18 =	vld [tilespmem:s28+$0x19730]  }
0xc8: {  	(erf) = vrcp.f32 v7;
	v47 =	vor.u32 $0x1, v40;
	v27 =	vld.idx.msk [tilespmem:v39+s2+$0x0], $0xffff  }
0xc9: {  	(erf) = vrcp.f32 v8;
	v45 =	vsub.f32 $1.500000000e+00, v45;
	v31 =	vshll.u32 v31, $0x1;
	v29 =	vld.idx.msk [tilespmem:v41+s2+$0x0], $0xffff  }
0xca: {  	(erf) = vrcp.f32 v6;
	v35 =	vshll.u32 v35, $0x1;
	v55 =	vld.idx.msk [tilespmem:v42+s2+$0x0], $0xffff;
	v44 =	vor.u32 $0x1, v31  }
0xcb: {  	v56 =	vor.u32 $0x1, v35;
	v57 =	vld.idx.msk [tilespmem:v43+s2+$0x0], $0xffff;
	v25 =	vmul.f32 v45, v25;
	(erf) = vrcp.f32 v15  }
0xcc: {  	v60 =	vld.idx.msk [tilespmem:v58+s2+$0x0], $0xffff;
	(erf) = vrcp.f32 v20;
	v23 =	vsub.f32 v23, v24;
	v26 =	vsub.f32 v37, v26  }
0xcd: {  	v43 =	vsub.f32 $1.500000000e+00, v59;
	v63 =	vld.idx.msk [tilespmem:v47+s2+$0x0], $0xffff;
	v13 =	vmul.f32 v28, v13;
	(erf) = vrcp.f32 v16  }
0xce: {  	v62 =	vsub.f32 $1.500000000e+00, v46;
	v28 =	vld.idx.msk [tilespmem:v30+s2+$0x0], $0xffff;
	v23 =	vmul.f32 v23, v23;
	v26 =	vmul.f32 v26, v26  }
0xcf: {  	v22 =	vmul.f32 v43, v22;
	(erf) = vrcp.f32 v17;
	v61 =	vld.idx.msk [tilespmem:v44+s2+$0x0], $0xffff;
	v27 =	vsub.f32 v27, v29  }
0xd0: {  	v24 =	vmul.f32 v9, v9;
	v9 =	vld.idx.msk [tilespmem:v56+s2+$0x0], $0xffff;
	(erf) = vrcp.f32 v18;
	v23 =	vadd.f32 v26, v23  }
0xd1: {  	v30 =	vld.idx.msk [tilespmem:v34+s2+$0x0], $0xffff;
	v13 =	vsub.f32 v13, v5;
	v5 =	vmul.f32 v25, v14;
	v10 =	vmul.f32 v22, v10  }
0xd2: {  	v21 =	vmul.f32 v62, v21;
	v25 =	vld.idx.msk [tilespmem:v33+s2+$0x0], $0xffff;
	v26 =	vpop (erf);
	v23 =	vmax.f32 v23, $1.000000000e-30  }
0xd3: {  	v22 =	vld.idx.msk [tilespmem:v32+s2+$0x0], $0xffff;
	v10 =	vsub.f32 v10, v7;
	v14 =	vmul.f32 v27, v27;
	v27 =	vpop (erf);
	v7 =	vshra.s32 v23, $0x1  }
0xd4: {  	v11 =	vmul.f32 v21, v11;
	v21 =	vld.idx.msk [tilespmem:v36+s2+$0x0], $0xffff;
	v42 =	vpop (erf);
	v46 =	vsub.s32 $0x5F3759DF, v7;
	v7 =	vsub.f32 v61, v63  }
0xd5: {  	v8 =	vsub.f32 v5, v8;
	v44 =	vld.idx.msk [tilespmem:v35+s2+$0x0], $0xffff;
	v9 =	vsub.f32 v9, v60;
	v45 =	vmul.f32 $5.000000000e-01, v23;
	v5 =	vpop (erf)  }
0xd6: {  	v31 =	vld.idx.msk [tilespmem:v31+s2+$0x0], $0xffff;
	v29 =	vsub.f32 v55, v57;
	v11 =	vsub.f32 v11, v6;
	v12 =	vmul.f32 v13, v12;
	v47 =	vpop (erf)  }
0xd7: {  	v13 =	vld.idx.msk [tilespmem:v40+s2+$0x0], $0xffff;
	v25 =	vsub.f32 v25, v30;
	v49 =	vmul.f32 v9, v9;
	v48 =	vmul.f32 v46, v45;
	v6 =	vpop (erf)  }
0xd8: {  	v9 =	vsub.f32 v28, v22;
	v10 =	vmul.f32 v10, v26;
	v22 =	vmul.f32 v7, v7;
	v7 =	vpop (erf)  }
0xd9: {  	v26 =	vmul.f32 v8, v27;
	v28 =	vmul.f32 v46, v48;
	v8 =	vpop (erf)  }
0xda: {  	v29 =	vmul.f32 v29, v29;
	v25 =	vmul.f32 v25, v25;
	v21 =	vsub.f32 v44, v21;
	_ =	swait.ge [sflag:s21], $0x7D0  }
0xdb: {  	v27 =	vmul.f32 v9, v9;
	v9 =	vmul.f32 v11, v42;
	v11 =	vsub.f32 $1.500000000e+00, v28;
	[sflag:s21] =	ssyncset.done $0x0  }
0xdc: {  	v4 =	vadd.f32 v19, v4;
	v12 =	vmul.f32 v12, v12;
	v13 =	vsub.f32 v31, v13;
	[sflag:s21] =	ssyncadd.s32 $0xFFFFF830  }
0xdd: {  	v25 =	vadd.f32 v29, v25;
	v21 =	vmul.f32 v21, v21;
	v11 =	vmul.f32 v46, v11;
	_ =	swait.ge [sflag:s21], $0x7D0  }
0xde: {  	v13 =	vmul.f32 v13, v13;
	v10 =	vmul.f32 v10, v10;
	v14 =	vadd.f32 v14, v27;
	[sflag:s21] =	ssyncset.done $0x0  }
0xdf: {  	v25 =	vmax.f32 v25, $1.000000000e-30;
	v21 =	vadd.f32 v49, v21;
	v27 =	vmul.f32 v11, v45;
	[sflag:s21] =	ssyncadd.s32 $0xFFFFF830  }
0xe0: {  	s26 =	sadd.s32 s26, s10;
	v26 =	vmul.f32 v26, v26;
	v29 =	vshra.s32 v25, $0x1;
	v13 =	vadd.f32 v22, v13;
	_ =	swait.ge [sflag:s21], $0x7D0  }
0xe1: {  	s26 =	sshrl.u32 s26, $0x3;
	v30 =	vmul.f32 $5.000000000e-01, v25;
	v14 =	vmax.f32 v14, $1.000000000e-30;
	v27 =	vmul.f32 v27, v11;
	[sflag:s21] =	ssyncset.done $0x0  }
0xe2: {  	s29 =	simm.s32 $0x0;
	s28 =	sadd.s32 s4, s26;
	v21 =	vmax.f32 v21, $1.000000000e-30;
	v28 =	vshra.s32 v14, $0x1;
	v13 =	vmax.f32 v13, $1.000000000e-30;
	[sflag:s21] =	ssyncadd.s32 $0xFFFFF830  }
0xe3: {  	v51 =	vshra.s32 v13, $0x1;
	v52 =	vmul.f32 $5.000000000e-01, v13;
	v27 =	vsub.f32 $1.500000000e+00, v27;
	[tilespmem:s13], [sflag:$0x2] =	stream.linear.gather [hbm4b:s28+s29], $0x7D0, $0x38;
	[tilespmem:$0x1B780] =	vst v63  }
0xe4: {  	v22 =	vmul.f32 $5.000000000e-01, v14;
	v50 =	vmul.f32 $5.000000000e-01, v21;
	v33 =	vsub.s32 $0x5F3759DF, v51;
	s28 =	sadd.s32 $0x30D40, s28  }
0xe5: {  	v31 =	vshra.s32 v21, $0x1;
	v53 =	vmul.f32 v33, v52;
	v11 =	vmul.f32 v27, v11;
	[tilespmem:s14], [sflag:$0x2] =	stream.linear.gather [hbm4b:s28+s29], $0x7D0, $0x38;
	[tilespmem:$0x1B780] =	vst v63  }
0xe6: {  	s26 =	sadd.s32 s5, s26;
	v27 =	vsub.s32 $0x5F3759DF, v28;
	v28 =	vsub.s32 $0x5F3759DF, v29;
	v29 =	vsub.s32 $0x5F3759DF, v31  }
0xe7: {  	v0 =	vadd.f32 v24, v0;
	v31 =	vmul.f32 v27, v22;
	v19 =	vmul.f32 v29, v50;
	[tilespmem:s15], [sflag:$0x2] =	stream.linear.gather [hbm4b:s26+s29], $0x7D0, $0x38;
	[tilespmem:$0x1B780] =	vst v63  }
0xe8: {  	v3 =	vadd.f32 v12, v3;
	v11 =	vmul.f32 v11, v23;
	v23 =	vmul.f32 v28, v30;
	s29 =	simm.s32 $0x0  }
0xe9: {  	v10 =	vadd.f32 v10, v2;
	v24 =	vmul.f32 v27, v31;
	v19 =	vmul.f32 v29, v19;
	v31 =	vld [tilespmem:s29+$0x19F40]  }
0xea: {  	v23 =	vmul.f32 v28, v23;
	v11 =	vsub.f32 v11, v20;
	v20 =	vmul.f32 v33, v53;
	v54 =	vld [tilespmem:s29+$0x1A740]  }
0xeb: {  	v9 =	vmul.f32 v9, v9;
	v24 =	vsub.f32 $1.500000000e+00, v24;
	v19 =	vsub.f32 $1.500000000e+00, v19;
	v55 =	vld [tilespmem:s29+$0x19F00]  }
0xec: {  	v56 =	vld [tilespmem:s29+$0x19F20];
	v23 =	vsub.f32 $1.500000000e+00, v23;
	v11 =	vmul.f32 v11, v47;
	v20 =	vsub.f32 $1.500000000e+00, v20  }
0xed: {  	v26 =	vadd.f32 v26, v1;
	v58 =	vld [tilespmem:s29+$0x1A720];
	v12 =	vmul.f32 v27, v24;
	v2 =	vmul.f32 v29, v19  }
0xee: {  	v0 =	vadd.f32 v9, v0;
	v60 =	vld [tilespmem:s29+$0x19F30];
	v23 =	vmul.f32 v28, v23;
	v19 =	vmul.f32 v33, v20  }
0xef: {  	v24 =	vld [tilespmem:s29+$0x1A700];
	v11 =	vmul.f32 v11, v11;
	v22 =	vmul.f32 v12, v22;
	v29 =	vshll.u32 v31, $0x1  }
0xf0: {  	v27 =	vmul.f32 v23, v30;
	v30 =	vmul.f32 v2, v50;
	v57 =	vshll.u32 v54, $0x1  }
0xf1: {  	v20 =	vld [tilespmem:s29+$0x19F10];
	v31 =	vmul.f32 v19, v52;
	v36 =	vshll.u32 v55, $0x1;
	v59 =	vor.u32 $0x1, v29  }
0xf2: {  	v28 =	vld [tilespmem:s29+$0x1A710];
	v32 =	vshll.u32 v56, $0x1;
	v34 =	vshll.u32 v58, $0x1;
	v61 =	vor.u32 $0x1, v57  }
0xf3: {  	v63 =	vld [tilespmem:s29+$0x1A730];
	v37 =	vshll.u32 v60, $0x1;
	v1 =	vadd.f32 v11, v4;
	v62 =	vor.u32 $0x1, v36  }
0xf4: {  	v22 =	vmul.f32 v22, v12;
	v51 =	vor.u32 $0x1, v32;
	v24 =	vshll.u32 v24, $0x1;
	v29 =	vld.idx.msk [tilespmem:v29+s2+$0x0], $0xffff  }
0xf5: {  	v27 =	vmul.f32 v27, v23;
	v30 =	vmul.f32 v30, v2;
	v48 =	vor.u32 $0x1, v24;
	v33 =	vld.idx.msk [tilespmem:v57+s2+$0x0], $0xffff  }
0xf6: {  	v31 =	vmul.f32 v31, v19;
	v22 =	vsub.f32 $1.500000000e+00, v22;
	v20 =	vshll.u32 v20, $0x1;
	v35 =	vld.idx.msk [tilespmem:v59+s2+$0x0], $0xffff  }
0xf7: {  	v28 =	vshll.u32 v28, $0x1;
	v27 =	vsub.f32 $1.500000000e+00, v27;
	v49 =	vor.u32 $0x1, v20;
	v38 =	vld.idx.msk [tilespmem:v61+s2+$0x0], $0xffff  }
0xf8: {  	v30 =	vsub.f32 $1.500000000e+00, v30;
	v50 =	vor.u32 $0x1, v28;
	v12 =	vmul.f32 v22, v12;
	v39 =	vld.idx.msk [tilespmem:v62+s2+$0x0], $0xffff  }
0xf9: {  	v31 =	vsub.f32 $1.500000000e+00, v31;
	v22 =	vor.u32 $0x1, v34;
	v23 =	vmul.f32 v27, v23;
	v9 =	vld.idx.msk [tilespmem:v24+s2+$0x0], $0xffff  }
0xfa: {  	v52 =	vor.u32 $0x1, v37;
	v2 =	vmul.f32 v30, v2;
	v12 =	vmul.f32 v12, v14;
	v41 =	vld.idx.msk [tilespmem:v48+s2+$0x0], $0xffff  }
0xfb: {  	v27 =	vshll.u32 v63, $0x1;
	v14 =	vmul.f32 v31, v19;
	v23 =	vmul.f32 v23, v25;
	v25 =	vld.idx.msk [tilespmem:v51+s2+$0x0], $0xffff  }
0xfc: {  	v30 =	vor.u32 $0x1, v27;
	v2 =	vmul.f32 v2, v21;
	v42 =	vld.idx.msk [tilespmem:v49+s2+$0x0], $0xffff;
	v12 =	vsub.f32 v12, v15  }
0xfd: {  	v19 =	vld.idx.msk [tilespmem:v50+s2+$0x0], $0xffff;
	v4 =	vmul.f32 v14, v13;
	v29 =	vsub.f32 v29, v33;
	v16 =	vsub.f32 v23, v16  }
0xfe: {  	v11 =	vld.idx.msk [tilespmem:v22+s2+$0x0], $0xffff;
	v2 =	vsub.f32 v2, v17;
	v31 =	vsub.f32 v35, v38;
	v5 =	vmul.f32 v12, v5  }
0xff: {  	v13 =	vld.idx.msk [tilespmem:v52+s2+$0x0], $0xffff;
	v4 =	vsub.f32 v4, v18;
	v14 =	vmul.f32 v29, v29;
	v6 =	vmul.f32 v16, v6  }
0x100: {  	v12 =	vld.idx.msk [tilespmem:v36+s2+$0x0], $0xffff;
	v7 =	vmul.f32 v2, v7;
	v15 =	vmul.f32 v31, v31  }
0x101: {  	v18 =	vld.idx.msk [tilespmem:v32+s2+$0x0], $0xffff;
	v8 =	vmul.f32 v4, v8;
	v2 =	vmul.f32 v5, v5  }
0x102: {  	v17 =	vld.idx.msk [tilespmem:v30+s2+$0x0], $0xffff;
	v4 =	vmul.f32 v6, v6;
	v7 =	vmul.f32 v7, v7;
	v14 =	vadd.f32 v15, v14  }
0x103: {  	v6 =	vld.idx.msk [tilespmem:v28+s2+$0x0], $0xffff;
	v2 =	vadd.f32 v2, v3;
	v11 =	vsub.f32 v25, v11  }
0x104: {  	s31 =	simm.s32 $0x50;
	v15 =	vld.idx.msk [tilespmem:v20+s2+$0x0], $0xffff;
	v3 =	vadd.f32 v4, v10;
	v4 =	vadd.f32 v7, v26  }
0x105: {  	v31 =	vld [tilespmem:s31+$0x19F10];
	v7 =	vmul.f32 v8, v8;
	v8 =	vsub.f32 v42, v19;
	v14 =	vmax.f32 v14, $1.000000000e-30  }
0x106: {  	v10 =	vld.idx.msk [tilespmem:v34+s2+$0x0], $0xffff;
	v9 =	vsub.f32 v12, v9;
	v5 =	vshra.s32 v14, $0x1;
	v16 =	vmul.f32 $5.000000000e-01, v14  }
0x107: {  	v19 =	vld.idx.msk [tilespmem:v37+s2+$0x0], $0xffff;
	v11 =	vmul.f32 v11, v11;
	v20 =	vsub.s32 $0x5F3759DF, v5;
	v5 =	vsub.f32 v39, v41  }
0x108: {  	v12 =	vld.idx.msk [tilespmem:v27+s2+$0x0], $0xffff;
	v13 =	vsub.f32 v13, v17;
	v8 =	vmul.f32 v8, v8;
	v21 =	vmul.f32 v20, v16  }
0x109: {  	v9 =	vmul.f32 v9, v9;
	v6 =	vsub.f32 v15, v6;
	v22 =	vmul.f32 v5, v5;
	v5 =	vld [tilespmem:s29+$0x1AF00]  }
0x10a: {  	v0 =	vadd.f32 v7, v0;
	v31 =	vshll.u32 v31, $0x1;
	v21 =	vmul.f32 v20, v21  }
0x10b: {  	v17 =	vld [tilespmem:s29+$0x1AF40];
	v13 =	vmul.f32 v13, v13;
	v10 =	vsub.f32 v18, v10;
	v6 =	vmul.f32 v6, v6  }
0x10c: {  	v58 =	vor.u32 $0x1, v31;
	v9 =	vadd.f32 v22, v9;
	v15 =	vsub.f32 $1.500000000e+00, v21  }
0x10d: {  	v6 =	vadd.f32 v8, v6;
	v8 =	vmul.f32 v10, v10;
	v10 =	vsub.f32 v19, v12  }
0x10e: {  	v9 =	vmax.f32 v9, $1.000000000e-30;
	v15 =	vmul.f32 v20, v15;
	(erf) = vrcp.f32 v5  }
0x10f: {  	v6 =	vmax.f32 v6, $1.000000000e-30;
	v8 =	vadd.f32 v11, v8;
	v10 =	vmul.f32 v10, v10  }
0x110: {  	v11 =	vshra.s32 v9, $0x1;
	(erf) = vrcp.f32 v17;
	v12 =	vmul.f32 v15, v16  }
0x111: {  	v16 =	vmul.f32 $5.000000000e-01, v9;
	v8 =	vmax.f32 v8, $1.000000000e-30;
	v10 =	vadd.f32 v13, v10  }
0x112: {  	v11 =	vsub.s32 $0x5F3759DF, v11;
	v19 =	vshra.s32 v8, $0x1;
	v20 =	vmul.f32 $5.000000000e-01, v8  }
0x113: {  	v12 =	vmul.f32 v12, v15;
	v10 =	vmax.f32 v10, $1.000000000e-30;
	v24 =	vmul.f32 v11, v16  }
0x114: {  	v19 =	vsub.s32 $0x5F3759DF, v19;
	v22 =	vshra.s32 v10, $0x1;
	v23 =	vmul.f32 $5.000000000e-01, v10  }
0x115: {  	v53 =	vld [tilespmem:s31+$0x19F30];
	v26 =	vmul.f32 v19, v20;
	v12 =	vsub.f32 $1.500000000e+00, v12;
	v22 =	vsub.s32 $0x5F3759DF, v22  }
0x116: {  	v57 =	vld [tilespmem:s31+$0x1A730];
	v13 =	vshra.s32 v6, $0x1;
	v24 =	vmul.f32 v11, v24;
	v29 =	vmul.f32 v22, v23  }
0x117: {  	v27 =	vld [tilespmem:s31+$0x19F40];
	v18 =	vmul.f32 $5.000000000e-01, v6;
	v13 =	vsub.s32 $0x5F3759DF, v13;
	v12 =	vmul.f32 v12, v15  }
0x118: {  	v30 =	vld [tilespmem:s31+$0x19F00];
	v7 =	vmul.f32 v19, v26;
	v24 =	vsub.f32 $1.500000000e+00, v24;
	v29 =	vmul.f32 v22, v29  }
0x119: {  	v25 =	vld [tilespmem:s29+$0x1AF30];
	v12 =	vmul.f32 v12, v14;
	v14 =	vmul.f32 v13, v18  }
0x11a: {  	v21 =	vld [tilespmem:s29+$0x1AF10];
	v7 =	vsub.f32 $1.500000000e+00, v7;
	v11 =	vmul.f32 v11, v24  }
0x11b: {  	v24 =	vsub.f32 $1.500000000e+00, v29;
	v12 =	vsub.f32 v12, v17;
	v17 =	vld [tilespmem:s31+$0x1A740];
	v14 =	vmul.f32 v13, v14  }
0x11c: {  	v27 =	vshll.u32 v27, $0x1;
	v37 =	vld.idx.msk [tilespmem:v58+s2+$0x0], $0xffff;
	v28 =	vpop (erf)  }
0x11d: {  	v26 =	vpop (erf);
	v29 =	vld [tilespmem:s31+$0x1A710];
	v7 =	vmul.f32 v19, v7;
	v19 =	vmul.f32 v22, v24;
	v14 =	vsub.f32 $1.500000000e+00, v14  }
0x11e: {  	v22 =	vshll.u32 v30, $0x1;
	v30 =	vor.u32 $0x1, v27;
	v12 =	vmul.f32 v12, v26;
	v26 =	vld [tilespmem:s31+$0x1A700]  }
0x11f: {  	v16 =	vmul.f32 v11, v16;
	v55 =	vor.u32 $0x1, v22;
	v13 =	vmul.f32 v13, v14;
	v14 =	vld [tilespmem:s31+$0x19F20]  }
0x120: {  	v32 =	vshll.u32 v53, $0x1;
	v24 =	vld [tilespmem:s31+$0x1A720];
	v20 =	vmul.f32 v7, v20;
	v17 =	vshll.u32 v17, $0x1  }
0x121: {  	v62 =	vor.u32 $0x1, v32;
	v15 =	vld [tilespmem:s29+$0x1AF20];
	v16 =	vmul.f32 v16, v11;
	v54 =	vor.u32 $0x1, v17  }
0x122: {  	v27 =	vld.idx.msk [tilespmem:v27+s2+$0x0], $0xffff;
	v23 =	vmul.f32 v19, v23;
	v20 =	vmul.f32 v20, v7;
	v29 =	vshll.u32 v29, $0x1  }
0x123: {  	v16 =	vsub.f32 $1.500000000e+00, v16;
	v59 =	vor.u32 $0x1, v29;
	v30 =	vld.idx.msk [tilespmem:v30+s2+$0x0], $0xffff;
	v26 =	vshll.u32 v26, $0x1  }
0x124: {  	v18 =	vmul.f32 v13, v18;
	v34 =	vld.idx.msk [tilespmem:v55+s2+$0x0], $0xffff;
	v56 =	vor.u32 $0x1, v26;
	v14 =	vshll.u32 v14, $0x1  }
0x125: {  	v24 =	vshll.u32 v24, $0x1;
	v11 =	vmul.f32 v16, v11;
	v17 =	vld.idx.msk [tilespmem:v17+s2+$0x0], $0xffff;
	v60 =	vor.u32 $0x1, v14  }
0x126: {  	v23 =	vmul.f32 v23, v19;
	v20 =	vsub.f32 $1.500000000e+00, v20;
	v61 =	vor.u32 $0x1, v24;
	v33 =	vld.idx.msk [tilespmem:v54+s2+$0x0], $0xffff  }
0x127: {  	v18 =	vmul.f32 v18, v13;
	v9 =	vmul.f32 v11, v9;
	v11 =	vld.idx.msk [tilespmem:v62+s2+$0x0], $0xffff  }
0x128: {  	v36 =	vshll.u32 v57, $0x1;
	v23 =	vsub.f32 $1.500000000e+00, v23;
	v7 =	vmul.f32 v20, v7;
	v38 =	vld.idx.msk [tilespmem:v59+s2+$0x0], $0xffff  }
0x129: {  	v63 =	vor.u32 $0x1, v36;
	(erf) = vrcp.f32 v21;
	v18 =	vsub.f32 $1.500000000e+00, v18;
	v35 =	vld.idx.msk [tilespmem:v56+s2+$0x0], $0xffff  }
0x12a: {  	v7 =	vmul.f32 v7, v8;
	v8 =	vmul.f32 v23, v19;
	v16 =	vld.idx.msk [tilespmem:v60+s2+$0x0], $0xffff  }
0x12b: {  	v13 =	vmul.f32 v18, v13;
	v17 =	vsub.f32 v27, v17;
	v27 =	vld.idx.msk [tilespmem:v61+s2+$0x0], $0xffff;
	v18 =	vsub.f32 v30, v33  }
0x12c: {  	(erf) = vrcp.f32 v15;
	v5 =	vsub.f32 v9, v5;
	v9 =	vld.idx.msk [tilespmem:v22+s2+$0x0], $0xffff;
	v8 =	vmul.f32 v8, v10  }
0x12d: {  	v7 =	vsub.f32 v7, v15;
	v15 =	vld.idx.msk [tilespmem:v31+s2+$0x0], $0xffff;
	v17 =	vmul.f32 v17, v17;
	v18 =	vmul.f32 v18, v18  }
0x12e: {  	(erf) = vrcp.f32 v25;
	v12 =	vmul.f32 v12, v12;
	v30 =	vld.idx.msk [tilespmem:v63+s2+$0x0], $0xffff  }
0x12f: {  	v8 =	vsub.f32 v8, v25;
	v6 =	vmul.f32 v13, v6;
	v17 =	vadd.f32 v18, v17;
	v18 =	vld.idx.msk [tilespmem:v26+s2+$0x0], $0xffff  }
0x130: {  	v25 =	vmul.f32 v5, v28;
	v20 =	vsub.f32 v34, v35;
	v10 =	vsub.f32 v16, v27;
	v16 =	vld.idx.msk [tilespmem:v29+s2+$0x0], $0xffff  }
0x131: {  	v22 =	vld.idx.msk [tilespmem:v24+s2+$0x0], $0xffff;
	v13 =	vsub.f32 v37, v38;
	v6 =	vsub.f32 v6, v21;
	v23 =	vmax.f32 v17, $1.000000000e-30  }
0x132: {  	v14 =	vld.idx.msk [tilespmem:v14+s2+$0x0], $0xffff;
	v19 =	vmul.f32 v20, v20;
	v17 =	vshra.s32 v23, $0x1;
	v20 =	vmul.f32 $5.000000000e-01, v23  }
0x133: {  	v21 =	vmul.f32 v10, v10;
	v10 =	vsub.f32 v11, v30;
	v11 =	vsub.s32 $0x5F3759DF, v17  }
0x134: {  	v1 =	vadd.f32 v12, v1;
	v13 =	vmul.f32 v13, v13;
	v24 =	vmul.f32 v11, v20  }
0x135: {  	v12 =	vld.idx.msk [tilespmem:v36+s2+$0x0], $0xffff;
	v9 =	vsub.f32 v9, v18;
	v18 =	vmul.f32 v10, v10;
	v15 =	vsub.f32 v15, v16;
	v17 =	vpop (erf)  }
0x136: {  	v26 =	vld.idx.msk [tilespmem:v32+s2+$0x0], $0xffff;
	v5 =	vpop (erf);
	v6 =	vmul.f32 v6, v17;
	v17 =	vmul.f32 v11, v24  }
0x137: {  	v14 =	vsub.f32 v14, v22;
	v24 =	vmul.f32 v9, v9;
	v15 =	vmul.f32 v15, v15;
	v10 =	vpop (erf)  }
0x138: {  	v7 =	vmul.f32 v7, v5;
	v5 =	vld [tilespmem:s31+$0x1AF00];
	v9 =	vmul.f32 v8, v10;
	v8 =	vsub.f32 $1.500000000e+00, v17  }
0x139: {  	v10 =	vmul.f32 v25, v25;
	v25 =	vmul.f32 v6, v6;
	v6 =	vadd.f32 v19, v24;
	v24 =	vld [tilespmem:s31+$0x1AF40]  }
0x13a: {  	v31 =	vmul.f32 v7, v7;
	v7 =	vadd.f32 v13, v15;
	v8 =	vmul.f32 v11, v8  }
0x13b: {  	v12 =	vsub.f32 v26, v12;
	v2 =	vadd.f32 v10, v2;
	v11 =	vmul.f32 v14, v14  }
0x13c: {  	v13 =	vmax.f32 v6, $1.000000000e-30;
	v10 =	vmax.f32 v7, $1.000000000e-30;
	v6 =	vmul.f32 v8, v20  }
0x13d: {  	(erf) = vrcp.f32 v5;
	v7 =	vadd.f32 v21, v11;
	v11 =	vmul.f32 v12, v12  }
0x13e: {  	v12 =	vshra.s32 v13, $0x1;
	(erf) = vrcp.f32 v24;
	v6 =	vmul.f32 v6, v8  }
0x13f: {  	v19 =	vmul.f32 $5.000000000e-01, v13;
	v20 =	vshra.s32 v10, $0x1;
	v15 =	vsub.s32 $0x5F3759DF, v12  }
0x140: {  	v21 =	vsub.s32 $0x5F3759DF, v20;
	v14 =	vmax.f32 v7, $1.000000000e-30;
	v6 =	vsub.f32 $1.500000000e+00, v6  }
0x141: {  	v7 =	vadd.f32 v18, v11;
	v22 =	vshra.s32 v14, $0x1;
	v17 =	vmul.f32 $5.000000000e-01, v14  }
0x142: {  	v18 =	vmul.f32 $5.000000000e-01, v10;
	v22 =	vsub.s32 $0x5F3759DF, v22;
	v6 =	vmul.f32 v6, v8  }
0x143: {  	v27 =	vmul.f32 v15, v19;
	v11 =	vmax.f32 v7, $1.000000000e-30;
	v7 =	vld [tilespmem:s31+$0x1AF10];
	v30 =	vmul.f32 v22, v17  }
0x144: {  	v26 =	vshra.s32 v11, $0x1;
	v16 =	vmul.f32 $5.000000000e-01, v11;
	v8 =	vld [tilespmem:s31+$0x1AF20];
	v28 =	vmul.f32 v6, v23  }
0x145: {  	s26 =	simm.s32 $0xA0;
	v3 =	vadd.f32 v25, v3;
	v29 =	vmul.f32 v21, v18;
	v20 =	vsub.s32 $0x5F3759DF, v26;
	v6 =	vld [tilespmem:s31+$0x1AF30]  }
0x146: {  	v26 =	vmul.f32 v15, v27;
	v27 =	vmul.f32 v20, v16;
	v23 =	vld [tilespmem:s26+$0x19F40];
	v12 =	vpop (erf);
	v25 =	vsub.f32 v28, v24  }
0x147: {  	s28 =	simm.s32 $0x3C0;
	v4 =	vadd.f32 v31, v4;
	v24 =	vld [tilespmem:s26+$0x1A740];
	v28 =	vmul.f32 v21, v29;
	v29 =	vmul.f32 v22, v30;
	v30 =	vpop (erf)  }
.LBB2_5:
0x148: {  	p0 =	sne.s32 s28, $0x1E00;
	v31 =	vld [tilespmem:s26+$0x19F00];
	v26 =	vsub.f32 $1.500000000e+00, v26;
	v27 =	vmul.f32 v20, v27;
	v25 =	vmul.f32 v25, v30  }
0x149: {  	v30 =	vld [tilespmem:s26+$0x1A700];
	v28 =	vsub.f32 $1.500000000e+00, v28;
	v29 =	vsub.f32 $1.500000000e+00, v29;
	(erf) = vrcp.f32 v7  }
0x14a: {  	v32 =	vld [tilespmem:s26+$0x19F10];
	v15 =	vmul.f32 v15, v26;
	v26 =	vsub.f32 $1.500000000e+00, v27;
	v25 =	vmul.f32 v25, v25  }
0x14b: {  	v27 =	vld [tilespmem:s26+$0x1A710];
	v23 =	vshll.u32 v23, $0x1;
	v21 =	vmul.f32 v21, v28;
	v22 =	vmul.f32 v22, v29  }
0x14c: {  	v28 =	vld [tilespmem:s26+$0x19F20];
	v24 =	vshll.u32 v24, $0x1;
	v20 =	vmul.f32 v20, v26;
	v1 =	vadd.f32 v25, v1  }
0x14d: {  	v29 =	vor.u32 $0x1, v23;
	v19 =	vmul.f32 v15, v19;
	v25 =	vshll.u32 v31, $0x1;
	v26 =	vld [tilespmem:s26+$0x1A720]  }
0x14e: {  	v34 =	vor.u32 $0x1, v24;
	v30 =	vshll.u32 v30, $0x1;
	v31 =	vor.u32 $0x1, v25;
	v33 =	vld [tilespmem:s26+$0x19F30]  }
0x14f: {  	v18 =	vmul.f32 v21, v18;
	v35 =	vor.u32 $0x1, v30;
	v32 =	vshll.u32 v32, $0x1;
	v36 =	vld [tilespmem:s26+$0x1A730]  }
0x150: {  	v17 =	vmul.f32 v22, v17;
	v27 =	vshll.u32 v27, $0x1;
	v37 =	vor.u32 $0x1, v32;
	v23 =	vld.idx.msk [tilespmem:v23+s2+$0x0], $0xffff  }
0x151: {  	v16 =	vmul.f32 v20, v16;
	v38 =	vor.u32 $0x1, v27;
	v28 =	vshll.u32 v28, $0x1;
	v24 =	vld.idx.msk [tilespmem:v24+s2+$0x0], $0xffff  }
0x152: {  	v19 =	vmul.f32 v19, v15;
	v26 =	vshll.u32 v26, $0x1;
	v39 =	vor.u32 $0x1, v28;
	v29 =	vld.idx.msk [tilespmem:v29+s2+$0x0], $0xffff;
	v40 =	vpop (erf)  }
0x153: {  	v18 =	vmul.f32 v18, v21;
	v41 =	vor.u32 $0x1, v26;
	v33 =	vshll.u32 v33, $0x1;
	v34 =	vld.idx.msk [tilespmem:v34+s2+$0x0], $0xffff  }
0x154: {  	v17 =	vmul.f32 v17, v22;
	v31 =	vld.idx.msk [tilespmem:v31+s2+$0x0], $0xffff;
	v36 =	vshll.u32 v36, $0x1;
	v42 =	vor.u32 $0x1, v33  }
0x155: {  	v16 =	vmul.f32 v16, v20;
	v35 =	vld.idx.msk [tilespmem:v35+s2+$0x0], $0xffff;
	v43 =	vor.u32 $0x1, v36;
	(erf) = vrcp.f32 v8  }
0x156: {  	v19 =	vsub.f32 $1.500000000e+00, v19;
	v18 =	vsub.f32 $1.500000000e+00, v18;
	v37 =	vld.idx.msk [tilespmem:v37+s2+$0x0], $0xffff;
	(erf) = vrcp.f32 v6  }
0x157: {  	v9 =	vmul.f32 v9, v9;
	v17 =	vsub.f32 $1.500000000e+00, v17;
	v16 =	vsub.f32 $1.500000000e+00, v16;
	v38 =	vld.idx.msk [tilespmem:v38+s2+$0x0], $0xffff  }
0x158: {  	v15 =	vmul.f32 v19, v15;
	v18 =	vmul.f32 v18, v21;
	v39 =	vld.idx.msk [tilespmem:v39+s2+$0x0], $0xffff  }
0x159: {  	v17 =	vmul.f32 v17, v22;
	v21 =	vsub.f32 v23, v24;
	v23 =	vsub.f32 v29, v34;
	v19 =	vld.idx.msk [tilespmem:v41+s2+$0x0], $0xffff  }
0x15a: {  	v0 =	vadd.f32 v9, v0;
	v13 =	vmul.f32 v15, v13;
	v15 =	vmul.f32 v16, v20;
	v22 =	vld.idx.msk [tilespmem:v42+s2+$0x0], $0xffff  }
0x15b: {  	v20 =	vmul.f32 v21, v21;
	v9 =	vsub.f32 v31, v35;
	v21 =	vmul.f32 v23, v23;
	v16 =	vld.idx.msk [tilespmem:v43+s2+$0x0], $0xffff  }
0x15c: {  	v10 =	vmul.f32 v18, v10;
	v5 =	vsub.f32 v13, v5;
	v13 =	vmul.f32 v17, v14;
	v23 =	vld.idx.msk [tilespmem:v25+s2+$0x0], $0xffff  }
0x15d: {  	v17 =	vmul.f32 v9, v9;
	v9 =	vsub.f32 v37, v38;
	v21 =	vadd.f32 v21, v20;
	v14 =	vld.idx.msk [tilespmem:v30+s2+$0x0], $0xffff  }
0x15e: {  	v7 =	vsub.f32 v10, v7;
	v10 =	vmul.f32 v15, v11;
	v8 =	vsub.f32 v13, v8;
	v20 =	vld.idx.msk [tilespmem:v32+s2+$0x0], $0xffff;
	v11 =	vpop (erf)  }
0x15f: {  	v15 =	vmul.f32 v9, v9;
	v9 =	vsub.f32 v39, v19;
	v24 =	vmax.f32 v21, $1.000000000e-30;
	v13 =	vld.idx.msk [tilespmem:v27+s2+$0x0], $0xffff;
	v18 =	vpop (erf)  }
0x160: {  	v6 =	vsub.f32 v10, v6;
	v21 =	vshra.s32 v24, $0x1;
	v25 =	vmul.f32 $5.000000000e-01, v24;
	v19 =	vld.idx.msk [tilespmem:v28+s2+$0x0], $0xffff  }
0x161: {  	v10 =	vld.idx.msk [tilespmem:v26+s2+$0x0], $0xffff;
	v26 =	vmul.f32 v9, v9;
	v9 =	vsub.f32 v22, v16;
	v16 =	vsub.s32 $0x5F3759DF, v21  }
0x162: {  	v12 =	vmul.f32 v5, v12;
	v21 =	vld.idx.msk [tilespmem:v33+s2+$0x0], $0xffff;
	v22 =	vmul.f32 v16, v25  }
0x163: {  	v28 =	vmul.f32 v7, v40;
	v14 =	vsub.f32 v23, v14;
	v23 =	vld.idx.msk [tilespmem:v36+s2+$0x0], $0xffff;
	v27 =	vmul.f32 v9, v9  }
0x164: {  	v11 =	vmul.f32 v8, v11;
	v5 =	vld [tilespmem:s26+$0x1AF00];
	v22 =	vmul.f32 v16, v22  }
0x165: {  	v9 =	vmul.f32 v6, v18;
	v14 =	vmul.f32 v14, v14;
	v13 =	vsub.f32 v20, v13;
	v7 =	vld [tilespmem:s26+$0x1AF10]  }
0x166: {  	v12 =	vmul.f32 v12, v12;
	v28 =	vmul.f32 v28, v28;
	v8 =	vld [tilespmem:s26+$0x1AF20];
	v18 =	vsub.f32 $1.500000000e+00, v22  }
0x167: {  	v14 =	vadd.f32 v17, v14;
	v13 =	vmul.f32 v13, v13;
	v10 =	vsub.f32 v19, v10;
	v29 =	vld [tilespmem:s26+$0x1AF40]  }
0x168: {  	v2 =	vadd.f32 v12, v2;
	v31 =	vmul.f32 v11, v11;
	v6 =	vld [tilespmem:s26+$0x1AF30];
	v20 =	vmul.f32 v16, v18  }
0x169: {  	v11 =	vadd.f32 v15, v13;
	v12 =	vmul.f32 v10, v10;
	v15 =	vsub.f32 v21, v23  }
0x16a: {  	v13 =	vmax.f32 v14, $1.000000000e-30;
	v14 =	vmul.f32 v20, v25;
	(erf) = vrcp.f32 v5  }
0x16b: {  	v10 =	vmax.f32 v11, $1.000000000e-30;
	v11 =	vadd.f32 v26, v12;
	v12 =	vmul.f32 v15, v15  }
0x16c: {  	v15 =	vshra.s32 v13, $0x1;
	v16 =	vmul.f32 v14, v20;
	(erf) = vrcp.f32 v29  }
0x16d: {  	v19 =	vmul.f32 $5.000000000e-01, v13;
	v14 =	vmax.f32 v11, $1.000000000e-30;
	v11 =	vadd.f32 v27, v12  }
0x16e: {  	v18 =	vmul.f32 $5.000000000e-01, v10;
	v12 =	vshra.s32 v10, $0x1;
	v21 =	vsub.f32 $1.500000000e+00, v16  }
0x16f: {  	v22 =	vshra.s32 v14, $0x1;
	v17 =	vmul.f32 $5.000000000e-01, v14;
	v11 =	vmax.f32 v11, $1.000000000e-30  }
0x170: {  	v23 =	vshra.s32 v11, $0x1;
	v16 =	vmul.f32 $5.000000000e-01, v11;
	v25 =	vmul.f32 v21, v20  }
.Ltmp1:
0x171: {  	v15 =	vsub.s32 $0x5F3759DF, v15;
	v22 =	vsub.s32 $0x5F3759DF, v22;
	v21 =	vsub.s32 $0x5F3759DF, v12;
	(pc) =	sbr.rel @p0 .LBB2_5-.Ltmp1, $4  }
0x172: {  	v26 =	vmul.f32 v15, v19;
	v20 =	vsub.s32 $0x5F3759DF, v23;
	v24 =	vmul.f32 v25, v24  }
0x173: {  	v3 =	vadd.f32 v28, v3;
	s26 =	sshra.s32 s28, $0x2;
	v32 =	vmul.f32 v22, v17;
	v33 =	vmul.f32 v21, v18;
	v12 =	vpop (erf)  }
0x174: {  	v26 =	vmul.f32 v15, v26;
	v27 =	vmul.f32 v20, v16;
	v23 =	vld [tilespmem:s26+$0x19F40];
	v25 =	vsub.f32 v24, v29  }
0x175: {  	v4 =	vadd.f32 v31, v4;
	s28 =	sadd.s32 $0x140, s28;
	v28 =	vmul.f32 v21, v33;
	v29 =	vmul.f32 v22, v32;
	v24 =	vld [tilespmem:s26+$0x1A740];
	v30 =	vpop (erf)  }
0x176: {  	v31 =	vld [tilespmem:s26+$0x19F00]  }
0x177: {  	v32 =	vld [tilespmem:s26+$0x1A700]  }
0x178: {  	v55 =	vld [tilespmem:s26+$0x19F10]  }
0x179: {  	v33 =	vld [tilespmem:s26+$0x1A710]  }
0x17a: {  	v27 =	vmul.f32 v20, v27;
	v56 =	vld [tilespmem:s26+$0x19F20];
	v23 =	vshll.u32 v23, $0x1  }
0x17b: {  	v57 =	vld [tilespmem:s26+$0x1A720];
	v24 =	vshll.u32 v24, $0x1  }
0x17c: {  	v26 =	vsub.f32 $1.500000000e+00, v26;
	v61 =	vld [tilespmem:s26+$0x19F30];
	v27 =	vsub.f32 $1.500000000e+00, v27;
	v58 =	vor.u32 $0x1, v23  }
0x17d: {  	v25 =	vmul.f32 v25, v30;
	v36 =	vld [tilespmem:s26+$0x1A730];
	v28 =	vsub.f32 $1.500000000e+00, v28;
	v34 =	vor.u32 $0x1, v24  }
0x17e: {  	v29 =	vsub.f32 $1.500000000e+00, v29;
	v59 =	vmul.f32 v20, v27;
	v27 =	vld [tilespmem:s26+$0x1AF00];
	v30 =	vshll.u32 v55, $0x1  }
0x17f: {  	v26 =	vmul.f32 v15, v26;
	v15 =	vmul.f32 v25, v25;
	v25 =	vshll.u32 v56, $0x1;
	v23 =	vld.idx.msk [tilespmem:v23+s2+$0x0], $0xffff  }
0x180: {  	v21 =	vmul.f32 v21, v28;
	v28 =	vshll.u32 v57, $0x1;
	v24 =	vld.idx.msk [tilespmem:v24+s2+$0x0], $0xffff  }
0x181: {  	v22 =	vmul.f32 v22, v29;
	v60 =	vshll.u32 v31, $0x1;
	v31 =	vshll.u32 v61, $0x1;
	v29 =	vld.idx.msk [tilespmem:v58+s2+$0x0], $0xffff  }
0x182: {  	v36 =	vshll.u32 v36, $0x1;
	v34 =	vld.idx.msk [tilespmem:v34+s2+$0x0], $0xffff  }
0x183: {  	(erf) = vrcp.f32 v7;
	v32 =	vshll.u32 v32, $0x1;
	v35 =	vor.u32 $0x1, v60;
	v46 =	vld.idx.msk [tilespmem:v30+s2+$0x0], $0xffff  }
0x184: {  	v9 =	vmul.f32 v9, v9;
	v19 =	vmul.f32 v26, v19;
	v37 =	vor.u32 $0x1, v32;
	v51 =	vld.idx.msk [tilespmem:v25+s2+$0x0], $0xffff  }
0x185: {  	v18 =	vmul.f32 v21, v18;
	v33 =	vshll.u32 v33, $0x1;
	v38 =	vor.u32 $0x1, v30;
	v52 =	vld.idx.msk [tilespmem:v28+s2+$0x0], $0xffff  }
0x186: {  	(erf) = vrcp.f32 v8;
	v39 =	vor.u32 $0x1, v33;
	v19 =	vmul.f32 v19, v26;
	v56 =	vld.idx.msk [tilespmem:v31+s2+$0x0], $0xffff  }
0x187: {  	v16 =	vmul.f32 v59, v16;
	v40 =	vor.u32 $0x1, v25;
	v18 =	vmul.f32 v18, v21;
	v58 =	vld.idx.msk [tilespmem:v36+s2+$0x0], $0xffff  }
0x188: {  	v17 =	vmul.f32 v22, v17;
	v41 =	vor.u32 $0x1, v28;
	v19 =	vsub.f32 $1.500000000e+00, v19;
	v35 =	vld.idx.msk [tilespmem:v35+s2+$0x0], $0xffff  }
0x189: {  	(erf) = vrcp.f32 v6;
	v16 =	vmul.f32 v16, v59;
	v18 =	vsub.f32 $1.500000000e+00, v18;
	v37 =	vld.idx.msk [tilespmem:v37+s2+$0x0], $0xffff  }
0x18a: {  	v17 =	vmul.f32 v17, v22;
	v19 =	vmul.f32 v19, v26;
	v38 =	vld.idx.msk [tilespmem:v38+s2+$0x0], $0xffff  }
0x18b: {  	v42 =	vor.u32 $0x1, v31;
	v16 =	vsub.f32 $1.500000000e+00, v16;
	v39 =	vld.idx.msk [tilespmem:v39+s2+$0x0], $0xffff;
	v18 =	vmul.f32 v18, v21  }
0x18c: {  	v17 =	vsub.f32 $1.500000000e+00, v17;
	v54 =	vpop (erf);
	(erf) = vrcp.f32 v27;
	v40 =	vld.idx.msk [tilespmem:v40+s2+$0x0], $0xffff;
	v13 =	vmul.f32 v19, v13  }
0x18d: {  	v43 =	vor.u32 $0x1, v36;
	v63 =	vld.idx.msk [tilespmem:v41+s2+$0x0], $0xffff;
	v16 =	vmul.f32 v16, v59;
	v10 =	vmul.f32 v18, v10  }
0x18e: {  	v48 =	vld.idx.msk [tilespmem:v33+s2+$0x0], $0xffff;
	v17 =	vmul.f32 v17, v22;
	v23 =	vsub.f32 v23, v24;
	v5 =	vsub.f32 v13, v5  }
0x18f: {  	v11 =	vmul.f32 v16, v11;
	v62 =	vsub.f32 v29, v34;
	v7 =	vsub.f32 v10, v7  }
0x190: {  	v29 =	vld.idx.msk [tilespmem:v42+s2+$0x0], $0xffff;
	v42 =	vmul.f32 v17, v14;
	v21 =	vsub.f32 v51, v52;
	v16 =	vsub.f32 v56, v58  }
0x191: {  	v23 =	vmul.f32 v23, v23;
	v34 =	vsub.f32 v35, v37;
	v45 =	vsub.f32 v38, v39  }
0x192: {  	v35 =	vld.idx.msk [tilespmem:v43+s2+$0x0], $0xffff;
	v50 =	vsub.f32 v40, v63;
	v6 =	vsub.f32 v11, v6;
	v5 =	vmul.f32 v5, v12  }
0x193: {  	v37 =	vld.idx.msk [tilespmem:v60+s2+$0x0], $0xffff;
	v60 =	vsub.f32 v46, v48;
	v24 =	vmul.f32 v62, v62;
	v7 =	vmul.f32 v7, v54  }
0x194: {  	v43 =	vld.idx.msk [tilespmem:v32+s2+$0x0], $0xffff;
	v47 =	vsub.f32 v42, v8;
	v31 =	vmul.f32 v21, v21;
	v16 =	vmul.f32 v16, v16  }
0x195: {  	v57 =	vpop (erf);
	v63 =	vld [tilespmem:s26+$0x1AF40];
	v44 =	vmul.f32 v34, v34;
	v19 =	vmul.f32 v45, v45;
	v41 =	vadd.f32 v24, v23  }
0x196: {  	v59 =	vpop (erf);
	v42 =	vld [tilespmem:s26+$0x1AF10];
	v55 =	vmul.f32 v50, v50;
	v12 =	vmul.f32 v60, v60  }
0x197: {  	v6 =	vmul.f32 v6, v59;
	v8 =	vmul.f32 v47, v57;
	v10 =	vmax.f32 v41, $1.000000000e-30  }
0x198: {  	v12 =	vadd.f32 v19, v12;
	v18 =	vshra.s32 v10, $0x1;
	v49 =	vmul.f32 $5.000000000e-01, v10  }
0x199: {  	v11 =	vadd.f32 v55, v31;
	v14 =	vsub.f32 v37, v43;
	v18 =	vsub.s32 $0x5F3759DF, v18  }
0x19a: {  	v22 =	vsub.f32 v29, v35;
	(erf) = vrcp.f32 v63;
	v53 =	vmul.f32 v18, v49  }
0x19b: {  	v12 =	vmax.f32 v12, $1.000000000e-30;
	(erf) = vrcp.f32 v42;
	v61 =	vmul.f32 v14, v14  }
0x19c: {  	v11 =	vmax.f32 v11, $1.000000000e-30;
	v22 =	vmul.f32 v22, v22;
	v26 =	vmul.f32 v18, v53  }
0x19d: {  	v34 =	vshra.s32 v12, $0x1;
	v35 =	vmul.f32 $5.000000000e-01, v12;
	v13 =	vadd.f32 v44, v61  }
0x19e: {  	v40 =	vsub.s32 $0x5F3759DF, v34;
	v16 =	vadd.f32 v22, v16;
	v62 =	vsub.f32 $1.500000000e+00, v26  }
0x19f: {  	v36 =	vshra.s32 v11, $0x1;
	v37 =	vmul.f32 $5.000000000e-01, v11;
	v44 =	vmul.f32 v40, v35  }
0x1a0: {  	v13 =	vmax.f32 v13, $1.000000000e-30;
	v16 =	vmax.f32 v16, $1.000000000e-30;
	v14 =	vmul.f32 v18, v62  }
0x1a1: {  	v32 =	vshra.s32 v13, $0x1;
	v38 =	vshra.s32 v16, $0x1;
	v39 =	vmul.f32 $5.000000000e-01, v16  }
0x1a2: {  	v51 =	vld [tilespmem:s26+$0x1AF20];
	v33 =	vmul.f32 $5.000000000e-01, v13;
	v25 =	vsub.s32 $0x5F3759DF, v38;
	v18 =	vmul.f32 v14, v49  }
0x1a3: {  	v29 =	vmul.f32 v40, v44;
	v17 =	vsub.s32 $0x5F3759DF, v32;
	v46 =	vmul.f32 v25, v39  }
0x1a4: {  	v41 =	vsub.s32 $0x5F3759DF, v36;
	v53 =	vld [tilespmem:s26+$0x1AF30];
	v43 =	vmul.f32 v17, v33;
	v18 =	vmul.f32 v18, v14  }
0x1a5: {  	v45 =	vmul.f32 v41, v37;
	v31 =	vmul.f32 v25, v46  }
0x1a6: {  	v48 =	vsub.f32 $1.500000000e+00, v29;
	v28 =	vmul.f32 v17, v43;
	v18 =	vsub.f32 $1.500000000e+00, v18  }
0x1a7: {  	(erf) = vrcp.f32 v51;
	v30 =	vmul.f32 v41, v45;
	v50 =	vsub.f32 $1.500000000e+00, v31  }
0x1a8: {  	v52 =	vmul.f32 v40, v48;
	v47 =	vsub.f32 $1.500000000e+00, v28;
	v14 =	vmul.f32 v18, v14  }
0x1a9: {  	v54 =	vpop (erf);
	(erf) = vrcp.f32 v53;
	v49 =	vsub.f32 $1.500000000e+00, v30;
	v25 =	vmul.f32 v25, v50  }
0x1aa: {  	v10 =	vmul.f32 v14, v10;
	v14 =	vmul.f32 v17, v47  }
0x1ab: {  	v21 =	vmul.f32 v52, v35;
	v20 =	vmul.f32 v41, v49  }
0x1ac: {  	v26 =	vmul.f32 v25, v39;
	v19 =	vmul.f32 v14, v33  }
0x1ad: {  	v21 =	vmul.f32 v21, v52;
	v24 =	vmul.f32 v20, v37  }
0x1ae: {  	v0 =	vadd.f32 v9, v0;
	v55 =	vmul.f32 v26, v25;
	v19 =	vmul.f32 v19, v14  }
0x1af: {  	v5 =	vmul.f32 v5, v5;
	v21 =	vsub.f32 $1.500000000e+00, v21;
	v24 =	vmul.f32 v24, v20  }
0x1b0: {  	v7 =	vmul.f32 v7, v7;
	v23 =	vsub.f32 $1.500000000e+00, v55;
	v19 =	vsub.f32 $1.500000000e+00, v19  }
0x1b1: {  	v6 =	vmul.f32 v6, v6;
	v24 =	vsub.f32 $1.500000000e+00, v24;
	v17 =	vmul.f32 v21, v52  }
0x1b2: {  	v1 =	vadd.f32 v15, v1;
	v58 =	vmul.f32 v23, v25;
	v14 =	vmul.f32 v19, v14  }
0x1b3: {  	v10 =	vsub.f32 v10, v63;
	v57 =	vmul.f32 v24, v20;
	v12 =	vmul.f32 v17, v12  }
0x1b4: {  	v2 =	vadd.f32 v5, v2;
	v56 =	vpop (erf);
	v60 =	vmul.f32 v58, v16;
	v59 =	vmul.f32 v14, v13  }
0x1b5: {  	v7 =	vadd.f32 v7, v3;
	v61 =	vpop (erf);
	v10 =	vmul.f32 v10, v56;
	v5 =	vmul.f32 v57, v11  }
0x1b6: {  	v8 =	vmul.f32 v8, v8;
	v62 =	vpop (erf);
	v11 =	vsub.f32 v60, v53;
	v9 =	vsub.f32 v59, v27  }
0x1b7: {  	s25 =	sadd.s32 $0x1, s25;
	v3 =	vpop (erf);
	v12 =	vsub.f32 v12, v42;
	v10 =	vmul.f32 v10, v10;
	v5 =	vsub.f32 v5, v51  }
0x1b8: {  	p0 =	sne.s32 s25, $0xC;
	v0 =	vadd.f32 v6, v0;
	v3 =	vmul.f32 v11, v3;
	v9 =	vmul.f32 v9, v54  }
.Ltmp2:
0x1b9: {  	v8 =	vadd.f32 v8, v4;
	v12 =	vmul.f32 v12, v61;
	v5 =	vmul.f32 v5, v62;
	(pc) =	sbr.rel @p0 .LBB2_2-.Ltmp2, $4  }
0x1ba: {  	v4 =	vadd.f32 v10, v1;
	v6 =	vmul.f32 v3, v3;
	v1 =	vmul.f32 v9, v9  }
0x1bb: {  	v63 =	vmul.f32 v12, v12;
	v5 =	vmul.f32 v5, v5  }
0x1bc: {  	v0 =	vadd.f32 v6, v0;
	v3 =	vadd.f32 v1, v2  }
0x1bd: {  	v2 =	vadd.f32 v63, v7;
	v1 =	vadd.f32 v5, v8  }
0x1be: {  	_ =	swait.ge [sflag:s17], $0x7D0  }
0x1bf: {  	[sflag:s17] =	ssyncset.done $0x0  }
0x1c0: {  	[sflag:s17] =	ssyncadd.s32 $0xFFFFF830  }
0x1c1: {  	_ =	swait.ge [sflag:s17], $0x7D0  }
0x1c2: {  	[sflag:s17] =	ssyncset.done $0x0  }
0x1c3: {  	[sflag:s17] =	ssyncadd.s32 $0xFFFFF830  }
0x1c4: {  	_ =	swait.ge [sflag:s17], $0x7D0  }
0x1c5: {  	[sflag:s17] =	ssyncset.done $0x0  }
0x1c6: {  	s25 =	simm.s32 $0x0;
	[sflag:s17] =	ssyncadd.s32 $0xFFFFF830  }
0x1c7: {  	v5 =	vld [tilespmem:s25+$0x18740]  }
0x1c8: {  	v6 =	vld [tilespmem:s25+$0x18F40]  }
0x1c9: {  	v7 =	vld [tilespmem:s25+$0x18700]  }
0x1ca: {  	v8 =	vld [tilespmem:s25+$0x18F00]  }
0x1cb: {  	v10 =	vld [tilespmem:s25+$0x18F10]  }
0x1cc: {  	v9 =	vld [tilespmem:s25+$0x18710]  }
0x1cd: {  	v11 =	vld [tilespmem:s25+$0x18720];
	v5 =	vshll.u32 v5, $0x1  }
0x1ce: {  	v12 =	vld [tilespmem:s25+$0x18F20];
	v6 =	vshll.u32 v6, $0x1  }
0x1cf: {  	v14 =	vld [tilespmem:s25+$0x18730];
	v7 =	vshll.u32 v7, $0x1  }
0x1d0: {  	s31 =	simm.s32 $0x50;
	v17 =	vld [tilespmem:s25+$0x18F30];
	v10 =	vshll.u32 v10, $0x1  }
0x1d1: {  	v31 =	vld [tilespmem:s31+$0x18710];
	v13 =	vor.u32 $0x1, v5  }
0x1d2: {  	v15 =	vor.u32 $0x1, v6;
	v5 =	vld.idx.msk [tilespmem:v5+s2+$0x0], $0xffff  }
0x1d3: {  	v11 =	vshll.u32 v11, $0x1;
	v6 =	vld.idx.msk [tilespmem:v6+s2+$0x0], $0xffff  }
0x1d4: {  	v12 =	vshll.u32 v12, $0x1;
	v16 =	vor.u32 $0x1, v7;
	v7 =	vld.idx.msk [tilespmem:v7+s2+$0x0], $0xffff  }
0x1d5: {  	v8 =	vshll.u32 v8, $0x1;
	v20 =	vor.u32 $0x1, v10;
	v10 =	vld.idx.msk [tilespmem:v10+s2+$0x0], $0xffff  }
0x1d6: {  	v9 =	vshll.u32 v9, $0x1;
	v18 =	vor.u32 $0x1, v8;
	v13 =	vld.idx.msk [tilespmem:v13+s2+$0x0], $0xffff  }
0x1d7: {  	v19 =	vor.u32 $0x1, v9;
	v15 =	vld.idx.msk [tilespmem:v15+s2+$0x0], $0xffff  }
0x1d8: {  	v21 =	vor.u32 $0x1, v11;
	v11 =	vld.idx.msk [tilespmem:v11+s2+$0x0], $0xffff  }
0x1d9: {  	v22 =	vor.u32 $0x1, v12;
	v12 =	vld.idx.msk [tilespmem:v12+s2+$0x0], $0xffff  }
0x1da: {  	v14 =	vshll.u32 v14, $0x1;
	v16 =	vld.idx.msk [tilespmem:v16+s2+$0x0], $0xffff  }
0x1db: {  	v23 =	vor.u32 $0x1, v14;
	v18 =	vld.idx.msk [tilespmem:v18+s2+$0x0], $0xffff  }
0x1dc: {  	v19 =	vld.idx.msk [tilespmem:v19+s2+$0x0], $0xffff;
	v5 =	vsub.f32 v5, v6;
	v6 =	vsub.f32 v13, v15  }
0x1dd: {  	v17 =	vshll.u32 v17, $0x1;
	v20 =	vld.idx.msk [tilespmem:v20+s2+$0x0], $0xffff  }
0x1de: {  	v24 =	vor.u32 $0x1, v17;
	v21 =	vld.idx.msk [tilespmem:v21+s2+$0x0], $0xffff;
	v5 =	vmul.f32 v5, v5;
	v6 =	vmul.f32 v6, v6  }
0x1df: {  	v13 =	vld.idx.msk [tilespmem:v22+s2+$0x0], $0xffff  }
0x1e0: {  	v15 =	vld.idx.msk [tilespmem:v23+s2+$0x0], $0xffff;
	v5 =	vadd.f32 v6, v5  }
0x1e1: {  	v6 =	vld.idx.msk [tilespmem:v8+s2+$0x0], $0xffff  }
0x1e2: {  	v8 =	vld.idx.msk [tilespmem:v9+s2+$0x0], $0xffff;
	v9 =	vmax.f32 v5, $1.000000000e-30  }
0x1e3: {  	v31 =	vshll.u32 v31, $0x1;
	v22 =	vld.idx.msk [tilespmem:v24+s2+$0x0], $0xffff;
	v5 =	vshra.s32 v9, $0x1;
	v23 =	vmul.f32 $5.000000000e-01, v9  }
0x1e4: {  	v11 =	vsub.f32 v11, v12;
	v13 =	vsub.f32 v21, v13;
	v24 =	vsub.s32 $0x5F3759DF, v5  }
0x1e5: {  	v37 =	vor.u32 $0x1, v31;
	v5 =	vsub.f32 v16, v18;
	v16 =	vmul.f32 v24, v23  }
0x1e6: {  	v14 =	vld.idx.msk [tilespmem:v14+s2+$0x0], $0xffff;
	v11 =	vmul.f32 v11, v11;
	v13 =	vmul.f32 v13, v13;
	v18 =	vsub.f32 v19, v20  }
0x1e7: {  	v6 =	vsub.f32 v7, v6;
	v7 =	vld.idx.msk [tilespmem:v17+s2+$0x0], $0xffff;
	v8 =	vsub.f32 v8, v10;
	v16 =	vmul.f32 v24, v16  }
0x1e8: {  	v10 =	vsub.f32 v15, v22;
	v11 =	vadd.f32 v13, v11;
	v19 =	vmul.f32 v5, v5  }
0x1e9: {  	v17 =	vmul.f32 v18, v18;
	v6 =	vmul.f32 v6, v6;
	v15 =	vsub.f32 $1.500000000e+00, v16  }
0x1ea: {  	v5 =	vld [tilespmem:s25+$0x19700];
	v8 =	vmul.f32 v8, v8;
	v10 =	vmul.f32 v10, v10;
	v11 =	vmax.f32 v11, $1.000000000e-30  }
0x1eb: {  	v12 =	vld [tilespmem:s25+$0x19740];
	v18 =	vshra.s32 v11, $0x1;
	v6 =	vadd.f32 v19, v6;
	v15 =	vmul.f32 v24, v15  }
0x1ec: {  	v8 =	vadd.f32 v17, v8;
	v19 =	vmul.f32 $5.000000000e-01, v11;
	v7 =	vsub.f32 v14, v7  }
0x1ed: {  	v18 =	vsub.s32 $0x5F3759DF, v18;
	v6 =	vmax.f32 v6, $1.000000000e-30;
	v14 =	vmul.f32 v15, v23  }
0x1ee: {  	v7 =	vmul.f32 v7, v7;
	v13 =	vshra.s32 v6, $0x1;
	v16 =	vmul.f32 $5.000000000e-01, v6  }
0x1ef: {  	(erf) = vrcp.f32 v5;
	v13 =	vsub.s32 $0x5F3759DF, v13;
	v14 =	vmul.f32 v14, v15  }
0x1f0: {  	(erf) = vrcp.f32 v12;
	v7 =	vadd.f32 v10, v7;
	v23 =	vmul.f32 v13, v16  }
0x1f1: {  	v8 =	vmax.f32 v8, $1.000000000e-30;
	v25 =	vmul.f32 v18, v19;
	v14 =	vsub.f32 $1.500000000e+00, v14  }
0x1f2: {  	v26 =	vld [tilespmem:s31+$0x18740];
	v17 =	vmul.f32 $5.000000000e-01, v8;
	v7 =	vmax.f32 v7, $1.000000000e-30;
	v23 =	vmul.f32 v13, v23  }
0x1f3: {  	v30 =	vld [tilespmem:s31+$0x18700];
	v21 =	vshra.s32 v7, $0x1;
	v22 =	vmul.f32 $5.000000000e-01, v7;
	v14 =	vmul.f32 v14, v15  }
0x1f4: {  	v32 =	vld [tilespmem:s31+$0x18730];
	v10 =	vshra.s32 v8, $0x1;
	v21 =	vsub.s32 $0x5F3759DF, v21;
	v23 =	vsub.f32 $1.500000000e+00, v23  }
0x1f5: {  	v36 =	vld [tilespmem:s31+$0x18F30];
	v10 =	vsub.s32 $0x5F3759DF, v10;
	v28 =	vmul.f32 v21, v22;
	v9 =	vmul.f32 v14, v9  }
0x1f6: {  	v37 =	vld.idx.msk [tilespmem:v37+s2+$0x0], $0xffff;
	v13 =	vmul.f32 v13, v23;
	v14 =	vmul.f32 v10, v17  }
0x1f7: {  	v25 =	vmul.f32 v18, v25;
	v28 =	vmul.f32 v21, v28;
	v9 =	vsub.f32 v9, v12;
	v12 =	vld [tilespmem:s31+$0x18F40]  }
0x1f8: {  	v20 =	vld [tilespmem:s25+$0x19710];
	v27 =	vpop (erf);
	v16 =	vmul.f32 v13, v16;
	v14 =	vmul.f32 v10, v14  }
0x1f9: {  	v26 =	vshll.u32 v26, $0x1;
	v24 =	vld [tilespmem:s25+$0x19730];
	v25 =	vsub.f32 $1.500000000e+00, v25;
	v29 =	vpop (erf);
	v23 =	vsub.f32 $1.500000000e+00, v28  }
0x1fa: {  	v28 =	vld [tilespmem:s31+$0x18F10];
	v16 =	vmul.f32 v16, v13;
	v9 =	vmul.f32 v9, v29;
	v14 =	vsub.f32 $1.500000000e+00, v14  }
0x1fb: {  	v29 =	vld [tilespmem:s31+$0x18F00];
	v21 =	vmul.f32 v21, v23;
	v23 =	vshll.u32 v30, $0x1;
	v30 =	vor.u32 $0x1, v26  }
0x1fc: {  	v10 =	vmul.f32 v10, v14;
	v14 =	vmul.f32 v18, v25;
	v18 =	vld [tilespmem:s31+$0x18720];
	v12 =	vshll.u32 v12, $0x1  }
0x1fd: {  	v32 =	vshll.u32 v32, $0x1;
	v16 =	vsub.f32 $1.500000000e+00, v16;
	v25 =	vld [tilespmem:s31+$0x18F20];
	v33 =	vor.u32 $0x1, v12  }
0x1fe: {  	v41 =	vor.u32 $0x1, v32;
	v15 =	vld [tilespmem:s25+$0x19720];
	v34 =	vor.u32 $0x1, v23  }
0x1ff: {  	v26 =	vld.idx.msk [tilespmem:v26+s2+$0x0], $0xffff;
	v28 =	vshll.u32 v28, $0x1;
	v13 =	vmul.f32 v16, v13;
	v17 =	vmul.f32 v10, v17  }
0x200: {  	v19 =	vmul.f32 v14, v19;
	v38 =	vor.u32 $0x1, v28;
	v29 =	vshll.u32 v29, $0x1;
	v30 =	vld.idx.msk [tilespmem:v30+s2+$0x0], $0xffff  }
0x201: {  	v35 =	vor.u32 $0x1, v29;
	v17 =	vmul.f32 v17, v10;
	v18 =	vshll.u32 v18, $0x1;
	v12 =	vld.idx.msk [tilespmem:v12+s2+$0x0], $0xffff  }
0x202: {  	v19 =	vmul.f32 v19, v14;
	v25 =	vshll.u32 v25, $0x1;
	v39 =	vor.u32 $0x1, v18;
	v33 =	vld.idx.msk [tilespmem:v33+s2+$0x0], $0xffff  }
0x203: {  	v36 =	vshll.u32 v36, $0x1;
	v6 =	vmul.f32 v13, v6;
	v13 =	vld.idx.msk [tilespmem:v41+s2+$0x0], $0xffff;
	v40 =	vor.u32 $0x1, v25  }
0x204: {  	(erf) = vrcp.f32 v20;
	v34 =	vld.idx.msk [tilespmem:v34+s2+$0x0], $0xffff;
	v17 =	vsub.f32 $1.500000000e+00, v17;
	v19 =	vsub.f32 $1.500000000e+00, v19  }
0x205: {  	v42 =	vor.u32 $0x1, v36;
	(erf) = vrcp.f32 v15;
	v22 =	vmul.f32 v21, v22;
	v38 =	vld.idx.msk [tilespmem:v38+s2+$0x0], $0xffff  }
0x206: {  	v10 =	vmul.f32 v17, v10;
	v14 =	vmul.f32 v19, v14;
	v35 =	vld.idx.msk [tilespmem:v35+s2+$0x0], $0xffff  }
0x207: {  	v22 =	vmul.f32 v22, v21;
	v16 =	vld.idx.msk [tilespmem:v39+s2+$0x0], $0xffff;
	v12 =	vsub.f32 v26, v12;
	v17 =	vsub.f32 v30, v33  }
0x208: {  	v5 =	vsub.f32 v6, v5;
	v6 =	vmul.f32 v10, v8;
	v8 =	vmul.f32 v14, v11;
	v26 =	vld.idx.msk [tilespmem:v40+s2+$0x0], $0xffff  }
0x209: {  	v22 =	vsub.f32 $1.500000000e+00, v22;
	v11 =	vld.idx.msk [tilespmem:v23+s2+$0x0], $0xffff;
	v12 =	vmul.f32 v12, v12;
	v17 =	vmul.f32 v17, v17  }
0x20a: {  	(erf) = vrcp.f32 v24;
	v9 =	vmul.f32 v9, v9;
	v30 =	vld.idx.msk [tilespmem:v42+s2+$0x0], $0xffff  }
0x20b: {  	v10 =	vmul.f32 v22, v21;
	v23 =	vld.idx.msk [tilespmem:v25+s2+$0x0], $0xffff;
	v14 =	vsub.f32 v37, v38;
	v12 =	vadd.f32 v17, v12  }
0x20c: {  	v25 =	vmul.f32 v5, v27;
	v6 =	vsub.f32 v6, v20;
	v8 =	vsub.f32 v8, v15;
	v17 =	vld.idx.msk [tilespmem:v29+s2+$0x0], $0xffff  }
0x20d: {  	v15 =	vld.idx.msk [tilespmem:v31+s2+$0x0], $0xffff;
	v7 =	vmul.f32 v10, v7;
	v10 =	vsub.f32 v16, v26;
	v12 =	vmax.f32 v12, $1.000000000e-30  }
0x20e: {  	v19 =	vsub.f32 v34, v35;
	v16 =	vld.idx.msk [tilespmem:v28+s2+$0x0], $0xffff;
	v20 =	vshra.s32 v12, $0x1;
	v21 =	vmul.f32 $5.000000000e-01, v12  }
0x20f: {  	v22 =	vmul.f32 v10, v10;
	v10 =	vsub.f32 v13, v30;
	v13 =	vsub.s32 $0x5F3759DF, v20  }
0x210: {  	v14 =	vmul.f32 v14, v14;
	v7 =	vsub.f32 v7, v24;
	v24 =	vmul.f32 v13, v21  }
0x211: {  	v18 =	vld.idx.msk [tilespmem:v18+s2+$0x0], $0xffff;
	v19 =	vmul.f32 v19, v19;
	v11 =	vsub.f32 v11, v17;
	v17 =	vmul.f32 v10, v10;
	v20 =	vpop (erf)  }
0x212: {  	v4 =	vadd.f32 v9, v4;
	v5 =	vpop (erf);
	v6 =	vmul.f32 v6, v20;
	v24 =	vmul.f32 v13, v24  }
0x213: {  	v26 =	vld.idx.msk [tilespmem:v32+s2+$0x0], $0xffff;
	v15 =	vsub.f32 v15, v16;
	v11 =	vmul.f32 v11, v11;
	v9 =	vpop (erf);
	v8 =	vmul.f32 v8, v5  }
0x214: {  	v20 =	vld.idx.msk [tilespmem:v36+s2+$0x0], $0xffff;
	v10 =	vmul.f32 v7, v9;
	v7 =	vsub.f32 $1.500000000e+00, v24;
	v9 =	vmul.f32 v25, v25  }
0x215: {  	v5 =	vld [tilespmem:s31+$0x19700];
	v24 =	vmul.f32 v6, v6;
	v6 =	vadd.f32 v19, v11;
	v11 =	vmul.f32 v15, v15  }
0x216: {  	v15 =	vsub.f32 v18, v23;
	v25 =	vld [tilespmem:s31+$0x19740];
	v31 =	vmul.f32 v8, v8  }
0x217: {  	v7 =	vmul.f32 v13, v7;
	v3 =	vadd.f32 v9, v3;
	v8 =	vadd.f32 v14, v11  }
0x218: {  	v11 =	vmul.f32 v15, v15;
	v13 =	vmax.f32 v6, $1.000000000e-30;
	v2 =	vadd.f32 v24, v2  }
0x219: {  	v14 =	vsub.f32 v26, v20;
	v15 =	vshra.s32 v13, $0x1;
	v6 =	vmul.f32 v7, v21  }
0x21a: {  	v19 =	vmul.f32 $5.000000000e-01, v13;
	(erf) = vrcp.f32 v5;
	v9 =	vmax.f32 v8, $1.000000000e-30  }
0x21b: {  	v8 =	vadd.f32 v22, v11;
	(erf) = vrcp.f32 v25;
	v6 =	vmul.f32 v6, v7  }
0x21c: {  	v23 =	vsub.s32 $0x5F3759DF, v15;
	v11 =	vmul.f32 v14, v14;
	v20 =	vshra.s32 v9, $0x1  }
0x21d: {  	v18 =	vmul.f32 $5.000000000e-01, v9;
	v14 =	vmax.f32 v8, $1.000000000e-30;
	v6 =	vsub.f32 $1.500000000e+00, v6  }
0x21e: {  	v8 =	vadd.f32 v17, v11;
	v21 =	vshra.s32 v14, $0x1;
	v17 =	vmul.f32 $5.000000000e-01, v14  }
0x21f: {  	s25 =	simm.s32 $0xA0;
	v15 =	vmul.f32 v23, v19;
	v21 =	vsub.s32 $0x5F3759DF, v21;
	v6 =	vmul.f32 v6, v7  }
0x220: {  	v24 =	vld [tilespmem:s25+$0x18740];
	v22 =	vsub.s32 $0x5F3759DF, v20;
	v11 =	vmax.f32 v8, $1.000000000e-30;
	v30 =	vmul.f32 v21, v17  }
0x221: {  	v8 =	vld [tilespmem:s31+$0x19710];
	v26 =	vshra.s32 v11, $0x1;
	v16 =	vmul.f32 $5.000000000e-01, v11;
	v28 =	vmul.f32 v6, v12  }
0x222: {  	v29 =	vmul.f32 v22, v18;
	v7 =	vld [tilespmem:s31+$0x19720];
	v20 =	vsub.s32 $0x5F3759DF, v26  }
0x223: {  	v26 =	vmul.f32 v23, v15;
	v6 =	vld [tilespmem:s31+$0x19730];
	v27 =	vmul.f32 v20, v16;
	v12 =	vpop (erf);
	v15 =	vsub.f32 v28, v25  }
0x224: {  	s26 =	simm.s32 $0x3C0;
	v1 =	vadd.f32 v31, v1;
	v29 =	vmul.f32 v22, v29;
	v25 =	vld [tilespmem:s25+$0x18F40];
	v28 =	vmul.f32 v21, v30;
	v30 =	vpop (erf)  }
.LBB2_8:
0x225: {  	p0 =	sne.s32 s26, $0x1E00;
	v31 =	vld [tilespmem:s25+$0x18700];
	v26 =	vsub.f32 $1.500000000e+00, v26;
	v27 =	vmul.f32 v20, v27;
	v15 =	vmul.f32 v15, v30  }
0x226: {  	v30 =	vld [tilespmem:s25+$0x18F00];
	v29 =	vsub.f32 $1.500000000e+00, v29;
	v28 =	vsub.f32 $1.500000000e+00, v28;
	(erf) = vrcp.f32 v8  }
0x227: {  	v32 =	vld [tilespmem:s25+$0x18710];
	v23 =	vmul.f32 v23, v26;
	v26 =	vsub.f32 $1.500000000e+00, v27;
	v15 =	vmul.f32 v15, v15  }
0x228: {  	v27 =	vld [tilespmem:s25+$0x18F10];
	v24 =	vshll.u32 v24, $0x1;
	v22 =	vmul.f32 v22, v29;
	v21 =	vmul.f32 v21, v28  }
0x229: {  	v28 =	vld [tilespmem:s25+$0x18720];
	v25 =	vshll.u32 v25, $0x1;
	v20 =	vmul.f32 v20, v26;
	v4 =	vadd.f32 v15, v4  }
0x22a: {  	v29 =	vor.u32 $0x1, v24;
	v19 =	vmul.f32 v23, v19;
	v15 =	vshll.u32 v31, $0x1;
	v26 =	vld [tilespmem:s25+$0x18F20]  }
0x22b: {  	v34 =	vor.u32 $0x1, v25;
	v30 =	vshll.u32 v30, $0x1;
	v31 =	vor.u32 $0x1, v15;
	v33 =	vld [tilespmem:s25+$0x18730]  }
0x22c: {  	v18 =	vmul.f32 v22, v18;
	v35 =	vor.u32 $0x1, v30;
	v32 =	vshll.u32 v32, $0x1;
	v36 =	vld [tilespmem:s25+$0x18F30]  }
0x22d: {  	v17 =	vmul.f32 v21, v17;
	v27 =	vshll.u32 v27, $0x1;
	v37 =	vor.u32 $0x1, v32;
	v24 =	vld.idx.msk [tilespmem:v24+s2+$0x0], $0xffff  }
0x22e: {  	v16 =	vmul.f32 v20, v16;
	v38 =	vor.u32 $0x1, v27;
	v28 =	vshll.u32 v28, $0x1;
	v25 =	vld.idx.msk [tilespmem:v25+s2+$0x0], $0xffff  }
0x22f: {  	v19 =	vmul.f32 v19, v23;
	v26 =	vshll.u32 v26, $0x1;
	v39 =	vor.u32 $0x1, v28;
	v29 =	vld.idx.msk [tilespmem:v29+s2+$0x0], $0xffff;
	v40 =	vpop (erf)  }
0x230: {  	v18 =	vmul.f32 v18, v22;
	v41 =	vor.u32 $0x1, v26;
	v33 =	vshll.u32 v33, $0x1;
	v34 =	vld.idx.msk [tilespmem:v34+s2+$0x0], $0xffff  }
0x231: {  	v17 =	vmul.f32 v17, v21;
	v31 =	vld.idx.msk [tilespmem:v31+s2+$0x0], $0xffff;
	v36 =	vshll.u32 v36, $0x1;
	v42 =	vor.u32 $0x1, v33  }
0x232: {  	v16 =	vmul.f32 v16, v20;
	v35 =	vld.idx.msk [tilespmem:v35+s2+$0x0], $0xffff;
	v43 =	vor.u32 $0x1, v36;
	(erf) = vrcp.f32 v7  }
0x233: {  	v19 =	vsub.f32 $1.500000000e+00, v19;
	v18 =	vsub.f32 $1.500000000e+00, v18;
	v37 =	vld.idx.msk [tilespmem:v37+s2+$0x0], $0xffff;
	(erf) = vrcp.f32 v6  }
0x234: {  	v10 =	vmul.f32 v10, v10;
	v17 =	vsub.f32 $1.500000000e+00, v17;
	v16 =	vsub.f32 $1.500000000e+00, v16;
	v38 =	vld.idx.msk [tilespmem:v38+s2+$0x0], $0xffff  }
0x235: {  	v19 =	vmul.f32 v19, v23;
	v18 =	vmul.f32 v18, v22;
	v39 =	vld.idx.msk [tilespmem:v39+s2+$0x0], $0xffff  }
0x236: {  	v17 =	vmul.f32 v17, v21;
	v23 =	vsub.f32 v24, v25;
	v24 =	vsub.f32 v29, v34;
	v22 =	vld.idx.msk [tilespmem:v41+s2+$0x0], $0xffff  }
0x237: {  	v0 =	vadd.f32 v10, v0;
	v13 =	vmul.f32 v19, v13;
	v16 =	vmul.f32 v16, v20;
	v21 =	vld.idx.msk [tilespmem:v42+s2+$0x0], $0xffff  }
0x238: {  	v20 =	vmul.f32 v23, v23;
	v10 =	vsub.f32 v31, v35;
	v23 =	vmul.f32 v24, v24;
	v19 =	vld.idx.msk [tilespmem:v43+s2+$0x0], $0xffff  }
0x239: {  	v9 =	vmul.f32 v18, v9;
	v5 =	vsub.f32 v13, v5;
	v13 =	vmul.f32 v17, v14;
	v15 =	vld.idx.msk [tilespmem:v15+s2+$0x0], $0xffff  }
0x23a: {  	v17 =	vmul.f32 v10, v10;
	v10 =	vsub.f32 v37, v38;
	v23 =	vadd.f32 v23, v20;
	v14 =	vld.idx.msk [tilespmem:v30+s2+$0x0], $0xffff  }
0x23b: {  	v8 =	vsub.f32 v9, v8;
	v9 =	vmul.f32 v16, v11;
	v7 =	vsub.f32 v13, v7;
	v20 =	vld.idx.msk [tilespmem:v32+s2+$0x0], $0xffff;
	v11 =	vpop (erf)  }
0x23c: {  	v16 =	vmul.f32 v10, v10;
	v10 =	vsub.f32 v39, v22;
	v24 =	vmax.f32 v23, $1.000000000e-30;
	v13 =	vld.idx.msk [tilespmem:v27+s2+$0x0], $0xffff;
	v18 =	vpop (erf)  }
0x23d: {  	v6 =	vsub.f32 v9, v6;
	v23 =	vshra.s32 v24, $0x1;
	v25 =	vmul.f32 $5.000000000e-01, v24;
	v22 =	vld.idx.msk [tilespmem:v28+s2+$0x0], $0xffff  }
0x23e: {  	v9 =	vld.idx.msk [tilespmem:v26+s2+$0x0], $0xffff;
	v26 =	vmul.f32 v10, v10;
	v10 =	vsub.f32 v21, v19;
	v19 =	vsub.s32 $0x5F3759DF, v23  }
0x23f: {  	v12 =	vmul.f32 v5, v12;
	v21 =	vld.idx.msk [tilespmem:v33+s2+$0x0], $0xffff;
	v23 =	vmul.f32 v19, v25  }
0x240: {  	v28 =	vmul.f32 v8, v40;
	v14 =	vsub.f32 v15, v14;
	v15 =	vld.idx.msk [tilespmem:v36+s2+$0x0], $0xffff;
	v27 =	vmul.f32 v10, v10  }
0x241: {  	v11 =	vmul.f32 v7, v11;
	v5 =	vld [tilespmem:s25+$0x19700];
	v23 =	vmul.f32 v19, v23  }
0x242: {  	v10 =	vmul.f32 v6, v18;
	v14 =	vmul.f32 v14, v14;
	v13 =	vsub.f32 v20, v13;
	v8 =	vld [tilespmem:s25+$0x19710]  }
0x243: {  	v12 =	vmul.f32 v12, v12;
	v28 =	vmul.f32 v28, v28;
	v7 =	vld [tilespmem:s25+$0x19720];
	v18 =	vsub.f32 $1.500000000e+00, v23  }
0x244: {  	v14 =	vadd.f32 v17, v14;
	v13 =	vmul.f32 v13, v13;
	v9 =	vsub.f32 v22, v9;
	v29 =	vld [tilespmem:s25+$0x19740]  }
0x245: {  	v3 =	vadd.f32 v12, v3;
	v31 =	vmul.f32 v11, v11;
	v6 =	vld [tilespmem:s25+$0x19730];
	v20 =	vmul.f32 v19, v18  }
0x246: {  	v11 =	vadd.f32 v16, v13;
	v12 =	vmul.f32 v9, v9;
	v15 =	vsub.f32 v21, v15  }
0x247: {  	v13 =	vmax.f32 v14, $1.000000000e-30;
	v14 =	vmul.f32 v20, v25;
	(erf) = vrcp.f32 v5  }
0x248: {  	v9 =	vmax.f32 v11, $1.000000000e-30;
	v11 =	vadd.f32 v26, v12;
	v12 =	vmul.f32 v15, v15  }
0x249: {  	v15 =	vshra.s32 v13, $0x1;
	v16 =	vmul.f32 v14, v20;
	(erf) = vrcp.f32 v29  }
0x24a: {  	v19 =	vmul.f32 $5.000000000e-01, v13;
	v14 =	vmax.f32 v11, $1.000000000e-30;
	v11 =	vadd.f32 v27, v12  }
0x24b: {  	v18 =	vmul.f32 $5.000000000e-01, v9;
	v12 =	vshra.s32 v9, $0x1;
	v21 =	vsub.f32 $1.500000000e+00, v16  }
0x24c: {  	v25 =	vshra.s32 v14, $0x1;
	v17 =	vmul.f32 $5.000000000e-01, v14;
	v11 =	vmax.f32 v11, $1.000000000e-30  }
0x24d: {  	v26 =	vshra.s32 v11, $0x1;
	v16 =	vmul.f32 $5.000000000e-01, v11;
	v27 =	vmul.f32 v21, v20  }
.Ltmp3:
0x24e: {  	v23 =	vsub.s32 $0x5F3759DF, v15;
	v22 =	vsub.s32 $0x5F3759DF, v12;
	v21 =	vsub.s32 $0x5F3759DF, v25;
	(pc) =	sbr.rel @p0 .LBB2_8-.Ltmp3, $4  }
0x24f: {  	v15 =	vmul.f32 v23, v19;
	v20 =	vsub.s32 $0x5F3759DF, v26;
	v25 =	vmul.f32 v27, v24  }
0x250: {  	v2 =	vadd.f32 v28, v2;
	s25 =	sshra.s32 s26, $0x2;
	v33 =	vmul.f32 v22, v18;
	v32 =	vmul.f32 v21, v17;
	v12 =	vpop (erf)  }
0x251: {  	v26 =	vmul.f32 v23, v15;
	v27 =	vmul.f32 v20, v16;
	v24 =	vld [tilespmem:s25+$0x18740];
	v15 =	vsub.f32 v25, v29  }
0x252: {  	v1 =	vadd.f32 v31, v1;
	s26 =	sadd.s32 $0x140, s26;
	v28 =	vmul.f32 v21, v32;
	v29 =	vmul.f32 v22, v33;
	v25 =	vld [tilespmem:s25+$0x18F40];
	v30 =	vpop (erf)  }
0x253: {  	v31 =	vld [tilespmem:s25+$0x18700]  }
0x254: {  	v32 =	vld [tilespmem:s25+$0x18F00]  }
0x255: {  	v33 =	vld [tilespmem:s25+$0x18710]  }
0x256: {  	v46 =	vld [tilespmem:s25+$0x18F10];
	v24 =	vshll.u32 v24, $0x1  }
0x257: {  	v34 =	vld [tilespmem:s25+$0x18720];
	v25 =	vshll.u32 v25, $0x1  }
0x258: {  	v48 =	vld [tilespmem:s25+$0x18F20];
	v35 =	vor.u32 $0x1, v24  }
0x259: {  	v50 =	vld [tilespmem:s25+$0x18730];
	v36 =	vor.u32 $0x1, v25  }
0x25a: {  	v26 =	vsub.f32 $1.500000000e+00, v26;
	v37 =	vld [tilespmem:s25+$0x18F30];
	v49 =	vshll.u32 v31, $0x1  }
0x25b: {  	v27 =	vmul.f32 v20, v27;
	v15 =	vmul.f32 v15, v30;
	v51 =	vshll.u32 v32, $0x1;
	v24 =	vld.idx.msk [tilespmem:v24+s2+$0x0], $0xffff  }
0x25c: {  	(erf) = vrcp.f32 v8;
	v29 =	vsub.f32 $1.500000000e+00, v29;
	v33 =	vshll.u32 v33, $0x1;
	v25 =	vld.idx.msk [tilespmem:v25+s2+$0x0], $0xffff  }
0x25d: {  	v28 =	vsub.f32 $1.500000000e+00, v28;
	(erf) = vrcp.f32 v7;
	v30 =	vshll.u32 v46, $0x1;
	v35 =	vld.idx.msk [tilespmem:v35+s2+$0x0], $0xffff  }
0x25e: {  	v23 =	vmul.f32 v23, v26;
	v47 =	vsub.f32 $1.500000000e+00, v27;
	v31 =	vshll.u32 v50, $0x1;
	v36 =	vld.idx.msk [tilespmem:v36+s2+$0x0], $0xffff  }
0x25f: {  	v22 =	vmul.f32 v22, v29;
	v21 =	vmul.f32 v21, v28;
	v37 =	vshll.u32 v37, $0x1;
	v58 =	vld.idx.msk [tilespmem:v49+s2+$0x0], $0xffff  }
0x260: {  	v53 =	vmul.f32 v20, v47;
	v19 =	vmul.f32 v23, v19;
	v52 =	vor.u32 $0x1, v49;
	v60 =	vld.idx.msk [tilespmem:v51+s2+$0x0], $0xffff  }
0x261: {  	v18 =	vmul.f32 v22, v18;
	v34 =	vshll.u32 v34, $0x1;
	v54 =	vor.u32 $0x1, v51;
	v62 =	vld.idx.msk [tilespmem:v33+s2+$0x0], $0xffff  }
0x262: {  	v17 =	vmul.f32 v21, v17;
	v38 =	vor.u32 $0x1, v33;
	v19 =	vmul.f32 v19, v23;
	v33 =	vld.idx.msk [tilespmem:v30+s2+$0x0], $0xffff  }
0x263: {  	v27 =	vshll.u32 v48, $0x1;
	v39 =	vor.u32 $0x1, v30;
	v18 =	vmul.f32 v18, v22;
	v44 =	vld.idx.msk [tilespmem:v31+s2+$0x0], $0xffff  }
0x264: {  	v40 =	vor.u32 $0x1, v34;
	v17 =	vmul.f32 v17, v21;
	v19 =	vsub.f32 $1.500000000e+00, v19;
	v49 =	vld.idx.msk [tilespmem:v37+s2+$0x0], $0xffff  }
0x265: {  	v16 =	vmul.f32 v53, v16;
	v41 =	vor.u32 $0x1, v27;
	v18 =	vsub.f32 $1.500000000e+00, v18;
	v32 =	vld.idx.msk [tilespmem:v52+s2+$0x0], $0xffff  }
0x266: {  	v42 =	vor.u32 $0x1, v31;
	v17 =	vsub.f32 $1.500000000e+00, v17;
	v19 =	vmul.f32 v19, v23;
	v26 =	vld.idx.msk [tilespmem:v54+s2+$0x0], $0xffff  }
0x267: {  	v43 =	vor.u32 $0x1, v37;
	v16 =	vmul.f32 v16, v53;
	v38 =	vld.idx.msk [tilespmem:v38+s2+$0x0], $0xffff;
	v18 =	vmul.f32 v18, v22  }
0x268: {  	v39 =	vld.idx.msk [tilespmem:v39+s2+$0x0], $0xffff;
	v17 =	vmul.f32 v17, v21;
	v13 =	vmul.f32 v19, v13  }
0x269: {  	(erf) = vrcp.f32 v6;
	v16 =	vsub.f32 $1.500000000e+00, v16;
	v40 =	vld.idx.msk [tilespmem:v40+s2+$0x0], $0xffff;
	v9 =	vmul.f32 v18, v9  }
0x26a: {  	v41 =	vld.idx.msk [tilespmem:v41+s2+$0x0], $0xffff;
	v61 =	vmul.f32 v17, v14;
	v24 =	vsub.f32 v24, v25;
	v5 =	vsub.f32 v13, v5  }
0x26b: {  	v56 =	vld.idx.msk [tilespmem:v42+s2+$0x0], $0xffff;
	v16 =	vmul.f32 v16, v53;
	v55 =	vsub.f32 v35, v36;
	v35 =	vsub.f32 v9, v8  }
0x26c: {  	v10 =	vmul.f32 v10, v10;
	v57 =	vld.idx.msk [tilespmem:v43+s2+$0x0], $0xffff;
	v42 =	vsub.f32 v61, v7;
	v51 =	vsub.f32 v58, v60  }
0x26d: {  	v11 =	vmul.f32 v16, v11;
	v14 =	vsub.f32 v62, v33;
	v18 =	vsub.f32 v44, v49  }
0x26e: {  	v50 =	vpop (erf);
	v24 =	vmul.f32 v24, v24;
	v59 =	vsub.f32 v32, v26;
	v32 =	vsub.f32 v38, v39  }
0x26f: {  	v27 =	vld.idx.msk [tilespmem:v27+s2+$0x0], $0xffff;
	v53 =	vpop (erf);
	v41 =	vsub.f32 v40, v41;
	v5 =	vmul.f32 v5, v12;
	v25 =	vmul.f32 v55, v55  }
0x270: {  	v36 =	vld.idx.msk [tilespmem:v34+s2+$0x0], $0xffff;
	v46 =	vsub.f32 v11, v6;
	v8 =	vmul.f32 v35, v50;
	v7 =	vmul.f32 v42, v53  }
0x271: {  	v48 =	vsub.f32 v56, v57;
	v12 =	vmul.f32 v51, v51;
	v14 =	vmul.f32 v14, v14  }
0x272: {  	v18 =	vmul.f32 v18, v18;
	v63 =	vmul.f32 v59, v59;
	v24 =	vadd.f32 v25, v24  }
0x273: {  	v54 =	vpop (erf);
	v43 =	vmul.f32 v32, v32;
	v47 =	vmul.f32 v41, v41  }
0x274: {  	v16 =	vmul.f32 v48, v48;
	v6 =	vmul.f32 v46, v54;
	v24 =	vmax.f32 v24, $1.000000000e-30  }
0x275: {  	v9 =	vsub.f32 v36, v27;
	v38 =	vshra.s32 v24, $0x1;
	v39 =	vmul.f32 $5.000000000e-01, v24  }
0x276: {  	v12 =	vadd.f32 v63, v12;
	v13 =	vadd.f32 v43, v14;
	v25 =	vsub.s32 $0x5F3759DF, v38  }
0x277: {  	v16 =	vadd.f32 v16, v18;
	v9 =	vmul.f32 v9, v9;
	v45 =	vmul.f32 v25, v39  }
0x278: {  	v5 =	vmul.f32 v5, v5;
	v12 =	vmax.f32 v12, $1.000000000e-30;
	v13 =	vmax.f32 v13, $1.000000000e-30  }
0x279: {  	v16 =	vmax.f32 v16, $1.000000000e-30;
	v9 =	vadd.f32 v47, v9;
	v52 =	vmul.f32 v25, v45  }
0x27a: {  	v58 =	vshra.s32 v12, $0x1;
	v59 =	vmul.f32 $5.000000000e-01, v12;
	v60 =	vshra.s32 v13, $0x1  }
0x27b: {  	v11 =	vsub.s32 $0x5F3759DF, v58;
	v9 =	vmax.f32 v9, $1.000000000e-30;
	v19 =	vsub.f32 $1.500000000e+00, v52  }
0x27c: {  	v61 =	vmul.f32 $5.000000000e-01, v13;
	v40 =	vmul.f32 v11, v59;
	v62 =	vshra.s32 v9, $0x1  }
0x27d: {  	v63 =	vmul.f32 $5.000000000e-01, v9;
	v56 =	vmul.f32 v25, v19;
	v19 =	vsub.s32 $0x5F3759DF, v60  }
0x27e: {  	v55 =	vld [tilespmem:s25+$0x19700];
	v29 =	vmul.f32 v11, v40;
	v21 =	vsub.s32 $0x5F3759DF, v62;
	v41 =	vmul.f32 v19, v61  }
0x27f: {  	v36 =	vshra.s32 v16, $0x1;
	v37 =	vmul.f32 $5.000000000e-01, v16;
	v42 =	vmul.f32 v21, v63  }
0x280: {  	v38 =	vld [tilespmem:s25+$0x19740];
	v29 =	vsub.f32 $1.500000000e+00, v29;
	v25 =	vsub.s32 $0x5F3759DF, v36;
	v30 =	vmul.f32 v19, v41  }
0x281: {  	v43 =	vmul.f32 v25, v37;
	v31 =	vmul.f32 v21, v42  }
0x282: {  	v11 =	vmul.f32 v11, v29;
	v57 =	vmul.f32 v56, v39;
	v39 =	vld [tilespmem:s25+$0x19710];
	v30 =	vsub.f32 $1.500000000e+00, v30  }
0x283: {  	(erf) = vrcp.f32 v55;
	v32 =	vmul.f32 v25, v43;
	v31 =	vsub.f32 $1.500000000e+00, v31  }
0x284: {  	v44 =	vld [tilespmem:s25+$0x19720];
	v18 =	vmul.f32 v11, v59;
	v19 =	vmul.f32 v19, v30  }
0x285: {  	(erf) = vrcp.f32 v38;
	v32 =	vsub.f32 $1.500000000e+00, v32;
	v21 =	vmul.f32 v21, v31  }
0x286: {  	v45 =	vld [tilespmem:s25+$0x19730];
	v18 =	vmul.f32 v18, v11;
	v20 =	vmul.f32 v19, v61  }
0x287: {  	(erf) = vrcp.f32 v39;
	v25 =	vmul.f32 v25, v32  }
0x288: {  	v22 =	vmul.f32 v21, v63;
	v20 =	vmul.f32 v20, v19  }
0x289: {  	v8 =	vmul.f32 v8, v8;
	v18 =	vsub.f32 $1.500000000e+00, v18;
	(erf) = vrcp.f32 v44  }
0x28a: {  	v26 =	vmul.f32 v25, v37;
	v22 =	vmul.f32 v22, v21;
	v20 =	vsub.f32 $1.500000000e+00, v20  }
0x28b: {  	v0 =	vadd.f32 v10, v0;
	(erf) = vrcp.f32 v45;
	v11 =	vmul.f32 v18, v11  }
0x28c: {  	v26 =	vmul.f32 v26, v25;
	v22 =	vsub.f32 $1.500000000e+00, v22;
	v46 =	vmul.f32 v20, v19  }
0x28d: {  	v3 =	vadd.f32 v5, v3;
	v14 =	vmul.f32 v57, v56;
	v11 =	vmul.f32 v11, v12  }
0x28e: {  	v47 =	vsub.f32 $1.500000000e+00, v26;
	v48 =	vmul.f32 v22, v21;
	v49 =	vmul.f32 v46, v13  }
0x28f: {  	v7 =	vmul.f32 v7, v7;
	v50 =	vpop (erf);
	v14 =	vsub.f32 $1.500000000e+00, v14;
	v11 =	vsub.f32 v11, v55  }
0x290: {  	v52 =	vpop (erf);
	v51 =	vmul.f32 v47, v25;
	v9 =	vmul.f32 v48, v9;
	v12 =	vsub.f32 v49, v39  }
0x291: {  	v2 =	vadd.f32 v8, v2;
	v14 =	vmul.f32 v14, v56;
	v11 =	vmul.f32 v11, v50;
	v53 =	vpop (erf)  }
0x292: {  	v9 =	vsub.f32 v9, v44;
	v10 =	vmul.f32 v51, v16;
	v12 =	vmul.f32 v12, v53  }
0x293: {  	v1 =	vadd.f32 v7, v1;
	v14 =	vmul.f32 v14, v24;
	v54 =	vpop (erf);
	v11 =	vmul.f32 v11, v11  }
0x294: {  	v55 =	vsub.f32 v10, v45;
	v5 =	vmul.f32 v9, v54;
	v12 =	vmul.f32 v12, v12  }
0x295: {  	v6 =	vmul.f32 v6, v6;
	v56 =	vsub.f32 v14, v38;
	v57 =	vpop (erf);
	v3 =	vadd.f32 v11, v3  }
0x296: {  	v58 =	vmul.f32 v55, v57;
	v5 =	vmul.f32 v5, v5;
	v2 =	vadd.f32 v12, v2  }
0x297: {  	v0 =	vadd.f32 v6, v0;
	v59 =	vmul.f32 v15, v15;
	v9 =	vmul.f32 v56, v52  }
0x298: {  	v1 =	vadd.f32 v5, v1;
	v60 =	vmul.f32 v58, v58;
	v2 =	vadd.f32 v2, v3  }
0x299: {  	v61 =	vadd.f32 v59, v4  }
0x29a: {  	v62 =	vmul.f32 v9, v9;
	v0 =	vadd.f32 v60, v0;
	v1 =	vadd.f32 v1, v2;
	_ =	sdelay $0x1  }
0x29b: {  	v63 =	vadd.f32 v62, v61;
	v0 =	vadd.f32 v0, v1;
	_ =	sdelay $0x1  }
0x29c: {  	v0 =	vadd.f32 v63, v0;
	_ =	sdelay $0x1  }
0x29d: {  	s24 =	sadd.s32 $0x1, s24;
	v0 =	vmul.f32 $6.250000000e-02, v0  }
0x29e: {  	p0 =	sne.s32 s24, s12  }
.Ltmp4:
0x29f: {  	[tilespmem:$0x1B700] =	vst v0;
	(pc) =	sbr.rel @p0 .LBB2_1-.Ltmp4, $4  }
0x2a0: {  	[hbm4b:s11+s2] =	stream.linear.scatter [tilespmem:s22], [sflag:$0x4], $0x80, $0x38;
	[tilespmem:$0x1B780] =	vst v63  }
0x2a1: {  	_ =	swait.ge [sflag:s23], $0x80  }
0x2a2: {  	[sflag:s23] =	ssyncset.done $0x0  }
0x2a3: {  	[sflag:s23] =	ssyncadd.s32 $0xFFFFFF80  }
0x2a4: {  	_ =	sfence.sel $0x180000  }
0x2a5: {  	[bflag:$0x0] =	sbarrier.arrive $0xFFFF  }
0x2a6: {  	p0 =	sne.s32 s1, $0x0;
	_ =	strace $0x90000047  }
0x2a7: {  	s0 =	sadd.s32 @!p0 $0x100000, s0;
	[bflag:$0x2] =	sbarrier.arrive $0xFFFF  }
0x2a8: {  	[sflag:s0] =	ssyncadd.tile.s32 @!p0 $0x1;
	_ =	shalt  }
.Lfunc_end2:
_tile_overlayer_lowered:
.L_overlay_start_2:
0x2a9: {  	(tag) =	ssettag $0x2  }
0x2aa: {  	s0 =	rddreg [dreg:$0x0];
	s2 =	stileid.u32  }
0x2ab: {  	s1 =	rddreg [dreg:$0x1];
	p0 =	sne.s32 s2, $0x0  }
0x2ac: {  	s3 =	rddreg [dreg:$0x2];
	[bflag:$0x3] =	sbarrier.arrive $0xFFFF;
	s2 =	simm.s32 @!p0 $0x1C04  }
0x2ad: {  	[timem:s3], [sflag:s2] =	dma.local @!p0 [hbm:s0], s1  }
0x2ae: {  	s0 =	simm.s32 @!p0 $0x4  }
0x2af: {  	_ =	swait.ge @!p0 [sflag:s0], s1  }
0x2b0: {  	s1 =	ssub.s32 @!p0 $0x0, s1;
	[sflag:s0] =	ssyncset.done @!p0 $0x0  }
0x2b1: {  	[sflag:s0] =	ssyncadd.s32 @!p0 s1  }
0x2b2: {  	[bflag:$0x3] =	sbarrier.arrive $0xFFFF  }
0x2b3: {  	_ =	shalt  }

</sc_bundles>
